<compile_context>
chip_gen: v7x
topology: tpu7x:2x2x1
jax: 0.10.2.dev20260603
libtpu: 0.0.44.dev20260713+nightly
codegen_flags: <defaults>
</compile_context>

<pallas_src>
import functools

import jax
import jax.numpy as jnp
from jax import lax
from jax.experimental import pallas as pl
from jax.experimental.pallas import tpu as pltpu
from jax.experimental.pallas import tpu_sc as plsc

BATCH = 4096
SEQ = 200
DIM = 64

NC = 2
NS = 16
NW = NC * NS

SEQ_PER_W = BATCH // NW
CHUNK = 40
NCHUNK = SEQ // CHUNK
NBANK = 3
NT = (SEQ_PER_W - 2) // NBANK
assert NBANK * NT + 2 == SEQ_PER_W


def _body(seq_hbm, tok_hbm, pos_hbm, out_hbm, idx_v, pos_v, *rest):
    bufs = rest[:NBANK]
    sem_g = rest[NBANK:2 * NBANK]
    sem_w = rest[2 * NBANK:3 * NBANK]

    wid = lax.axis_index("s") * NC + lax.axis_index("c")
    base = wid * SEQ_PER_W

    pltpu.sync_copy(seq_hbm.at[pl.ds(base, SEQ_PER_W), :], idx_v)
    pltpu.sync_copy(pos_hbm, pos_v)

    def fire_gather(b, g):
        for k in range(NCHUNK):
            pltpu.async_copy(
                tok_hbm.at[idx_v.at[g, pl.ds(k * CHUNK, CHUNK)]],
                bufs[b].at[pl.ds(k * CHUNK, CHUNK), :], sem_g[b])

    def wait_gather(b):
        for k in range(NCHUNK):
            pltpu.make_async_copy(
                tok_hbm.at[idx_v.at[0, pl.ds(0, CHUNK)]],
                bufs[b].at[pl.ds(k * CHUNK, CHUNK), :], sem_g[b]).wait()

    def fire_write(b, g):
        pltpu.async_copy(bufs[b], out_hbm.at[base + g], sem_w[b])

    def wait_write(b):
        pltpu.make_async_copy(bufs[b], out_hbm.at[base], sem_w[b]).wait()

    def add_pos(b):
        buf = bufs[b]

        @plsc.parallel_loop(0, SEQ, unroll=4)
        def _(r):
            for j in range(DIM // 16):
                sl = pl.ds(j * 16, 16)
                buf[r, sl] = buf[r, sl] + pos_v[r, sl]

    fire_gather(0, 0)
    fire_gather(1, 1)

    def outer(t, carry):
        for p in range(NBANK):
            g = NBANK * t + p
            wait_gather(p)
            add_pos(p)
            fire_write(p, g)
            q = (p + 2) % NBANK
            if p == 0:
                @pl.when(t > 0)
                def _():
                    wait_write(q)
            else:
                wait_write(q)
            fire_gather(q, g + 2)
        return carry

    lax.fori_loop(0, NT, outer, 0)

    for j in range(2):
        wait_gather(j)
        add_pos(j)
        fire_write(j, SEQ_PER_W - 2 + j)
    for b in range(NBANK):
        wait_write(b)


def kernel(seq, token_table, pos_table):
    run = functools.partial(
        pl.kernel,
        out_type=jax.ShapeDtypeStruct((BATCH, SEQ, DIM), jnp.float32),
        mesh=plsc.VectorSubcoreMesh(core_axis_name="c", subcore_axis_name="s"),
        scratch_types=(
            [pltpu.VMEM((SEQ_PER_W, SEQ), jnp.int32),
             pltpu.VMEM((SEQ, DIM), jnp.float32)]
            + [pltpu.VMEM((SEQ, DIM), jnp.float32) for _ in range(NBANK)]
            + [pltpu.SemaphoreType.DMA for _ in range(2 * NBANK)]
        ),
        compiler_params=pltpu.CompilerParams(use_tc_tiling_on_sc=False),
    )(_body)
    return run(seq, token_table, pos_table)

# --- scband reference (transcript-rebuilt; emitter-appended) ---
"""Pipeline reference for scband-positional-embedding-30983894073347 (READ-ONLY COPY).

The authoritative reference and input builder live on the scoring server;
editing this copy changes nothing except your own understanding.
"""

import jax, jax.numpy as jnp
import numpy as np

BATCH = 4096
SEQ_LEN = 200
VOCAB = 1000000
DIM = 64

def setup_inputs(seed: int = 0) -> dict:
    key = jax.random.key(seed)
    k1, k2, k3 = jax.random.split(key, 3)
    seq = jax.random.randint(k1, (BATCH, SEQ_LEN), 0, VOCAB, dtype=jnp.int32)
    token_table = jax.random.normal(k2, (VOCAB, DIM), dtype=jnp.float32) * 0.02
    pos_table = jax.random.normal(k3, (SEQ_LEN, DIM), dtype=jnp.float32) * 0.02
    return {"seq": seq, "token_table": token_table, "pos_table": pos_table}

def reference(seq, token_table, pos_table):
    # token embedding lookup: gather rows of the big table
    tok = jnp.take(token_table, seq, axis=0)            # [B, S, D]
    # positional embedding: range(S) lookup, broadcast over batch
    pos_idx = jnp.arange(seq.shape[1])
    pos = jnp.take(pos_table, pos_idx, axis=0)[None, :, :]  # [1, S, D]
    return tok + pos

if __name__ == "__main__":
    import jax
    _d = setup_inputs()
    print(jax.jit(kernel)(*tuple(_d.values())))

</pallas_src>

<mosaic_0001>
#map = affine_map<(d0, d1) -> (0, 0)>
#map1 = affine_map<(d0, d1) -> (0, 0, 0)>
module attributes {stable_mosaic.version = 14 : i64} {
  func.func @_body(%arg0: i32, %arg1: i32, %arg2: memref<4096x200xi32, #tpu.memory_space<hbm>>, %arg3: memref<1000000x64xf32, #tpu.memory_space<hbm>>, %arg4: memref<200x64xf32, #tpu.memory_space<hbm>>, %arg5: memref<4096x200x64xf32, #tpu.memory_space<hbm>>, %arg6: memref<128x200xi32, #tpu.memory_space<vmem>>, %arg7: memref<200x64xf32, #tpu.memory_space<vmem>>, %arg8: memref<200x64xf32, #tpu.memory_space<vmem>>, %arg9: memref<200x64xf32, #tpu.memory_space<vmem>>, %arg10: memref<200x64xf32, #tpu.memory_space<vmem>>, %arg11: memref<!tpu.dma_semaphore, #tpu.memory_space<semaphore_mem>>, %arg12: memref<!tpu.dma_semaphore, #tpu.memory_space<semaphore_mem>>, %arg13: memref<!tpu.dma_semaphore, #tpu.memory_space<semaphore_mem>>, %arg14: memref<!tpu.dma_semaphore, #tpu.memory_space<semaphore_mem>>, %arg15: memref<!tpu.dma_semaphore, #tpu.memory_space<semaphore_mem>>, %arg16: memref<!tpu.dma_semaphore, #tpu.memory_space<semaphore_mem>>) attributes {dimension_semantics = [#tpu.dimension_semantics<core_parallel>, #tpu.dimension_semantics<subcore_parallel>], iteration_bounds = array<i64: 2, 16>, scalar_prefetch = 0 : i64, scratch_operands = 11 : i64, tpu.core_type = #tpu.core_type<sc_vector_subcore>, window_params = [{transform_indices = #map}, {transform_indices = #map}, {transform_indices = #map}, {transform_indices = #map1}]} {
    %mul3A = arith.constant 2 : i32
    %mul3A_0 = arith.muli %arg1, %mul3A : i32
    %add3A = arith.addi %mul3A_0, %arg0 : i32
    %mul3A_1 = arith.constant 128 : i32
    %mul3A_2 = arith.muli %add3A, %mul3A_1 : i32
    "tpu.region"() ({
      %run_scoped3A = tpu.sem_alloc : memref<!tpu.dma_semaphore, #tpu.memory_space<semaphore_mem>>
      %dma_start3A_255 = arith.constant 0 : i32
      %dma_start3A_256 = tpu.memref_slice %arg2[%mul3A_2, %dma_start3A_255] : memref<4096x200xi32, #tpu.memory_space<hbm>> -> memref<128x200xi32, #tpu.memory_space<hbm>>
      %dma_start3A_257 = arith.constant 0 : i32
      %dma_start3A_258 = tpu.memref_slice %arg2[%mul3A_2, %dma_start3A_257] : memref<4096x200xi32, #tpu.memory_space<hbm>> -> memref<128x200xi32, #tpu.memory_space<hbm>>
      tpu.enqueue_dma source(%dma_start3A_258 : memref<128x200xi32, #tpu.memory_space<hbm>>) target(%arg6 : memref<128x200xi32, #tpu.memory_space<vmem>>) target_semaphore(%run_scoped3A : memref<!tpu.dma_semaphore, #tpu.memory_space<semaphore_mem>>)
      %dma_wait3A_259 = arith.constant 0 : i32
      %dma_wait3A_260 = tpu.memref_slice %arg2[%mul3A_2, %dma_wait3A_259] : memref<4096x200xi32, #tpu.memory_space<hbm>> -> memref<128x200xi32, #tpu.memory_space<hbm>>
      %dma_wait3A_261 = arith.constant 0 : i32
      %dma_wait3A_262 = tpu.memref_slice %arg2[%mul3A_2, %dma_wait3A_261] : memref<4096x200xi32, #tpu.memory_space<hbm>> -> memref<128x200xi32, #tpu.memory_space<hbm>>
      tpu.wait_dma2 semaphore(%run_scoped3A : memref<!tpu.dma_semaphore, #tpu.memory_space<semaphore_mem>>) src(%dma_wait3A_262 : memref<128x200xi32, #tpu.memory_space<hbm>>) dst(%arg6 : memref<128x200xi32, #tpu.memory_space<vmem>>)
      tpu.yield
    }) : () -> ()
    "tpu.region"() ({
      %run_scoped3A = tpu.sem_alloc : memref<!tpu.dma_semaphore, #tpu.memory_space<semaphore_mem>>
      tpu.enqueue_dma source(%arg4 : memref<200x64xf32, #tpu.memory_space<hbm>>) target(%arg7 : memref<200x64xf32, #tpu.memory_space<vmem>>) target_semaphore(%run_scoped3A : memref<!tpu.dma_semaphore, #tpu.memory_space<semaphore_mem>>)
      tpu.wait_dma2 semaphore(%run_scoped3A : memref<!tpu.dma_semaphore, #tpu.memory_space<semaphore_mem>>) src(%arg4 : memref<200x64xf32, #tpu.memory_space<hbm>>) dst(%arg7 : memref<200x64xf32, #tpu.memory_space<vmem>>)
      tpu.yield
    }) : () -> ()
    %dma_start3A = arith.constant 0 : i32
    %dma_start3A_3 = arith.constant 0 : i32
    %dma_start3A_4 = arith.constant 0 : i32
    %dma_start3A_5 = tpu.memref_slice %arg8[%dma_start3A_3, %dma_start3A_4] : memref<200x64xf32, #tpu.memory_space<vmem>> -> memref<40x64xf32, #tpu.memory_space<vmem>>
    %dma_start3A_6 = arith.constant 0 : i32
    %dma_start3A_7 = tpu.memref_slice %arg6[%dma_start3A, %dma_start3A_6] : memref<128x200xi32, #tpu.memory_space<vmem>> -> memref<1x40xi32, #tpu.memory_space<vmem>>
    %dma_start3A_8 = tpu.memref_squeeze %dma_start3A_7 : memref<1x40xi32, #tpu.memory_space<vmem>> -> memref<40xi32, #tpu.memory_space<vmem>>
    %dma_start3A_9 = arith.constant 0 : i32
    %dma_start3A_10 = arith.constant 0 : i32
    %dma_start3A_11 = tpu.memref_slice %arg3[%dma_start3A_9, %dma_start3A_10] : memref<1000000x64xf32, #tpu.memory_space<hbm>> -> memref<1000000x64xf32, #tpu.memory_space<hbm>>
    tpu.enqueue_indirect_dma source(%dma_start3A_11 : memref<1000000x64xf32, #tpu.memory_space<hbm>>) target(%dma_start3A_5 : memref<40x64xf32, #tpu.memory_space<vmem>>) offsets(%dma_start3A_8 : memref<40xi32, #tpu.memory_space<vmem>>) semaphore(%arg11 : memref<!tpu.dma_semaphore, #tpu.memory_space<semaphore_mem>>)
    %dma_start3A_12 = arith.constant 0 : i32
    %dma_start3A_13 = arith.constant 40 : i32
    %dma_start3A_14 = arith.constant 0 : i32
    %dma_start3A_15 = tpu.memref_slice %arg8[%dma_start3A_13, %dma_start3A_14] : memref<200x64xf32, #tpu.memory_space<vmem>> -> memref<40x64xf32, #tpu.memory_space<vmem>>
    %dma_start3A_16 = arith.constant 40 : i32
    %dma_start3A_17 = tpu.memref_slice %arg6[%dma_start3A_12, %dma_start3A_16] : memref<128x200xi32, #tpu.memory_space<vmem>> -> memref<1x40xi32, #tpu.memory_space<vmem>>
    %dma_start3A_18 = tpu.memref_squeeze %dma_start3A_17 : memref<1x40xi32, #tpu.memory_space<vmem>> -> memref<40xi32, #tpu.memory_space<vmem>>
    %dma_start3A_19 = arith.constant 0 : i32
    %dma_start3A_20 = arith.constant 0 : i32
    %dma_start3A_21 = tpu.memref_slice %arg3[%dma_start3A_19, %dma_start3A_20] : memref<1000000x64xf32, #tpu.memory_space<hbm>> -> memref<1000000x64xf32, #tpu.memory_space<hbm>>
    tpu.enqueue_indirect_dma source(%dma_start3A_21 : memref<1000000x64xf32, #tpu.memory_space<hbm>>) target(%dma_start3A_15 : memref<40x64xf32, #tpu.memory_space<vmem>>) offsets(%dma_start3A_18 : memref<40xi32, #tpu.memory_space<vmem>>) semaphore(%arg11 : memref<!tpu.dma_semaphore, #tpu.memory_space<semaphore_mem>>)
    %dma_start3A_22 = arith.constant 0 : i32
    %dma_start3A_23 = arith.constant 80 : i32
    %dma_start3A_24 = arith.constant 0 : i32
    %dma_start3A_25 = tpu.memref_slice %arg8[%dma_start3A_23, %dma_start3A_24] : memref<200x64xf32, #tpu.memory_space<vmem>> -> memref<40x64xf32, #tpu.memory_space<vmem>>
    %dma_start3A_26 = arith.constant 80 : i32
    %dma_start3A_27 = tpu.memref_slice %arg6[%dma_start3A_22, %dma_start3A_26] : memref<128x200xi32, #tpu.memory_space<vmem>> -> memref<1x40xi32, #tpu.memory_space<vmem>>
    %dma_start3A_28 = tpu.memref_squeeze %dma_start3A_27 : memref<1x40xi32, #tpu.memory_space<vmem>> -> memref<40xi32, #tpu.memory_space<vmem>>
    %dma_start3A_29 = arith.constant 0 : i32
    %dma_start3A_30 = arith.constant 0 : i32
    %dma_start3A_31 = tpu.memref_slice %arg3[%dma_start3A_29, %dma_start3A_30] : memref<1000000x64xf32, #tpu.memory_space<hbm>> -> memref<1000000x64xf32, #tpu.memory_space<hbm>>
    tpu.enqueue_indirect_dma source(%dma_start3A_31 : memref<1000000x64xf32, #tpu.memory_space<hbm>>) target(%dma_start3A_25 : memref<40x64xf32, #tpu.memory_space<vmem>>) offsets(%dma_start3A_28 : memref<40xi32, #tpu.memory_space<vmem>>) semaphore(%arg11 : memref<!tpu.dma_semaphore, #tpu.memory_space<semaphore_mem>>)
    %dma_start3A_32 = arith.constant 0 : i32
    %dma_start3A_33 = arith.constant 120 : i32
    %dma_start3A_34 = arith.constant 0 : i32
    %dma_start3A_35 = tpu.memref_slice %arg8[%dma_start3A_33, %dma_start3A_34] : memref<200x64xf32, #tpu.memory_space<vmem>> -> memref<40x64xf32, #tpu.memory_space<vmem>>
    %dma_start3A_36 = arith.constant 120 : i32
    %dma_start3A_37 = tpu.memref_slice %arg6[%dma_start3A_32, %dma_start3A_36] : memref<128x200xi32, #tpu.memory_space<vmem>> -> memref<1x40xi32, #tpu.memory_space<vmem>>
    %dma_start3A_38 = tpu.memref_squeeze %dma_start3A_37 : memref<1x40xi32, #tpu.memory_space<vmem>> -> memref<40xi32, #tpu.memory_space<vmem>>
    %dma_start3A_39 = arith.constant 0 : i32
    %dma_start3A_40 = arith.constant 0 : i32
    %dma_start3A_41 = tpu.memref_slice %arg3[%dma_start3A_39, %dma_start3A_40] : memref<1000000x64xf32, #tpu.memory_space<hbm>> -> memref<1000000x64xf32, #tpu.memory_space<hbm>>
    tpu.enqueue_indirect_dma source(%dma_start3A_41 : memref<1000000x64xf32, #tpu.memory_space<hbm>>) target(%dma_start3A_35 : memref<40x64xf32, #tpu.memory_space<vmem>>) offsets(%dma_start3A_38 : memref<40xi32, #tpu.memory_space<vmem>>) semaphore(%arg11 : memref<!tpu.dma_semaphore, #tpu.memory_space<semaphore_mem>>)
    %dma_start3A_42 = arith.constant 0 : i32
    %dma_start3A_43 = arith.constant 160 : i32
    %dma_start3A_44 = arith.constant 0 : i32
    %dma_start3A_45 = tpu.memref_slice %arg8[%dma_start3A_43, %dma_start3A_44] : memref<200x64xf32, #tpu.memory_space<vmem>> -> memref<40x64xf32, #tpu.memory_space<vmem>>
    %dma_start3A_46 = arith.constant 160 : i32
    %dma_start3A_47 = tpu.memref_slice %arg6[%dma_start3A_42, %dma_start3A_46] : memref<128x200xi32, #tpu.memory_space<vmem>> -> memref<1x40xi32, #tpu.memory_space<vmem>>
    %dma_start3A_48 = tpu.memref_squeeze %dma_start3A_47 : memref<1x40xi32, #tpu.memory_space<vmem>> -> memref<40xi32, #tpu.memory_space<vmem>>
    %dma_start3A_49 = arith.constant 0 : i32
    %dma_start3A_50 = arith.constant 0 : i32
    %dma_start3A_51 = tpu.memref_slice %arg3[%dma_start3A_49, %dma_start3A_50] : memref<1000000x64xf32, #tpu.memory_space<hbm>> -> memref<1000000x64xf32, #tpu.memory_space<hbm>>
    tpu.enqueue_indirect_dma source(%dma_start3A_51 : memref<1000000x64xf32, #tpu.memory_space<hbm>>) target(%dma_start3A_45 : memref<40x64xf32, #tpu.memory_space<vmem>>) offsets(%dma_start3A_48 : memref<40xi32, #tpu.memory_space<vmem>>) semaphore(%arg11 : memref<!tpu.dma_semaphore, #tpu.memory_space<semaphore_mem>>)
    %dma_start3A_52 = arith.constant 1 : i32
    %dma_start3A_53 = arith.constant 0 : i32
    %dma_start3A_54 = arith.constant 0 : i32
    %dma_start3A_55 = tpu.memref_slice %arg9[%dma_start3A_53, %dma_start3A_54] : memref<200x64xf32, #tpu.memory_space<vmem>> -> memref<40x64xf32, #tpu.memory_space<vmem>>
    %dma_start3A_56 = arith.constant 0 : i32
    %dma_start3A_57 = tpu.memref_slice %arg6[%dma_start3A_52, %dma_start3A_56] : memref<128x200xi32, #tpu.memory_space<vmem>> -> memref<1x40xi32, #tpu.memory_space<vmem>>
    %dma_start3A_58 = tpu.memref_squeeze %dma_start3A_57 : memref<1x40xi32, #tpu.memory_space<vmem>> -> memref<40xi32, #tpu.memory_space<vmem>>
    %dma_start3A_59 = arith.constant 0 : i32
    %dma_start3A_60 = arith.constant 0 : i32
    %dma_start3A_61 = tpu.memref_slice %arg3[%dma_start3A_59, %dma_start3A_60] : memref<1000000x64xf32, #tpu.memory_space<hbm>> -> memref<1000000x64xf32, #tpu.memory_space<hbm>>
    tpu.enqueue_indirect_dma source(%dma_start3A_61 : memref<1000000x64xf32, #tpu.memory_space<hbm>>) target(%dma_start3A_55 : memref<40x64xf32, #tpu.memory_space<vmem>>) offsets(%dma_start3A_58 : memref<40xi32, #tpu.memory_space<vmem>>) semaphore(%arg12 : memref<!tpu.dma_semaphore, #tpu.memory_space<semaphore_mem>>)
    %dma_start3A_62 = arith.constant 1 : i32
    %dma_start3A_63 = arith.constant 40 : i32
    %dma_start3A_64 = arith.constant 0 : i32
    %dma_start3A_65 = tpu.memref_slice %arg9[%dma_start3A_63, %dma_start3A_64] : memref<200x64xf32, #tpu.memory_space<vmem>> -> memref<40x64xf32, #tpu.memory_space<vmem>>
    %dma_start3A_66 = arith.constant 40 : i32
    %dma_start3A_67 = tpu.memref_slice %arg6[%dma_start3A_62, %dma_start3A_66] : memref<128x200xi32, #tpu.memory_space<vmem>> -> memref<1x40xi32, #tpu.memory_space<vmem>>
    %dma_start3A_68 = tpu.memref_squeeze %dma_start3A_67 : memref<1x40xi32, #tpu.memory_space<vmem>> -> memref<40xi32, #tpu.memory_space<vmem>>
    %dma_start3A_69 = arith.constant 0 : i32
    %dma_start3A_70 = arith.constant 0 : i32
    %dma_start3A_71 = tpu.memref_slice %arg3[%dma_start3A_69, %dma_start3A_70] : memref<1000000x64xf32, #tpu.memory_space<hbm>> -> memref<1000000x64xf32, #tpu.memory_space<hbm>>
    tpu.enqueue_indirect_dma source(%dma_start3A_71 : memref<1000000x64xf32, #tpu.memory_space<hbm>>) target(%dma_start3A_65 : memref<40x64xf32, #tpu.memory_space<vmem>>) offsets(%dma_start3A_68 : memref<40xi32, #tpu.memory_space<vmem>>) semaphore(%arg12 : memref<!tpu.dma_semaphore, #tpu.memory_space<semaphore_mem>>)
    %dma_start3A_72 = arith.constant 1 : i32
    %dma_start3A_73 = arith.constant 80 : i32
    %dma_start3A_74 = arith.constant 0 : i32
    %dma_start3A_75 = tpu.memref_slice %arg9[%dma_start3A_73, %dma_start3A_74] : memref<200x64xf32, #tpu.memory_space<vmem>> -> memref<40x64xf32, #tpu.memory_space<vmem>>
    %dma_start3A_76 = arith.constant 80 : i32
    %dma_start3A_77 = tpu.memref_slice %arg6[%dma_start3A_72, %dma_start3A_76] : memref<128x200xi32, #tpu.memory_space<vmem>> -> memref<1x40xi32, #tpu.memory_space<vmem>>
    %dma_start3A_78 = tpu.memref_squeeze %dma_start3A_77 : memref<1x40xi32, #tpu.memory_space<vmem>> -> memref<40xi32, #tpu.memory_space<vmem>>
    %dma_start3A_79 = arith.constant 0 : i32
    %dma_start3A_80 = arith.constant 0 : i32
    %dma_start3A_81 = tpu.memref_slice %arg3[%dma_start3A_79, %dma_start3A_80] : memref<1000000x64xf32, #tpu.memory_space<hbm>> -> memref<1000000x64xf32, #tpu.memory_space<hbm>>
    tpu.enqueue_indirect_dma source(%dma_start3A_81 : memref<1000000x64xf32, #tpu.memory_space<hbm>>) target(%dma_start3A_75 : memref<40x64xf32, #tpu.memory_space<vmem>>) offsets(%dma_start3A_78 : memref<40xi32, #tpu.memory_space<vmem>>) semaphore(%arg12 : memref<!tpu.dma_semaphore, #tpu.memory_space<semaphore_mem>>)
    %dma_start3A_82 = arith.constant 1 : i32
    %dma_start3A_83 = arith.constant 120 : i32
    %dma_start3A_84 = arith.constant 0 : i32
    %dma_start3A_85 = tpu.memref_slice %arg9[%dma_start3A_83, %dma_start3A_84] : memref<200x64xf32, #tpu.memory_space<vmem>> -> memref<40x64xf32, #tpu.memory_space<vmem>>
    %dma_start3A_86 = arith.constant 120 : i32
    %dma_start3A_87 = tpu.memref_slice %arg6[%dma_start3A_82, %dma_start3A_86] : memref<128x200xi32, #tpu.memory_space<vmem>> -> memref<1x40xi32, #tpu.memory_space<vmem>>
    %dma_start3A_88 = tpu.memref_squeeze %dma_start3A_87 : memref<1x40xi32, #tpu.memory_space<vmem>> -> memref<40xi32, #tpu.memory_space<vmem>>
    %dma_start3A_89 = arith.constant 0 : i32
    %dma_start3A_90 = arith.constant 0 : i32
    %dma_start3A_91 = tpu.memref_slice %arg3[%dma_start3A_89, %dma_start3A_90] : memref<1000000x64xf32, #tpu.memory_space<hbm>> -> memref<1000000x64xf32, #tpu.memory_space<hbm>>
    tpu.enqueue_indirect_dma source(%dma_start3A_91 : memref<1000000x64xf32, #tpu.memory_space<hbm>>) target(%dma_start3A_85 : memref<40x64xf32, #tpu.memory_space<vmem>>) offsets(%dma_start3A_88 : memref<40xi32, #tpu.memory_space<vmem>>) semaphore(%arg12 : memref<!tpu.dma_semaphore, #tpu.memory_space<semaphore_mem>>)
    %dma_start3A_92 = arith.constant 1 : i32
    %dma_start3A_93 = arith.constant 160 : i32
    %dma_start3A_94 = arith.constant 0 : i32
    %dma_start3A_95 = tpu.memref_slice %arg9[%dma_start3A_93, %dma_start3A_94] : memref<200x64xf32, #tpu.memory_space<vmem>> -> memref<40x64xf32, #tpu.memory_space<vmem>>
    %dma_start3A_96 = arith.constant 160 : i32
    %dma_start3A_97 = tpu.memref_slice %arg6[%dma_start3A_92, %dma_start3A_96] : memref<128x200xi32, #tpu.memory_space<vmem>> -> memref<1x40xi32, #tpu.memory_space<vmem>>
    %dma_start3A_98 = tpu.memref_squeeze %dma_start3A_97 : memref<1x40xi32, #tpu.memory_space<vmem>> -> memref<40xi32, #tpu.memory_space<vmem>>
    %dma_start3A_99 = arith.constant 0 : i32
    %dma_start3A_100 = arith.constant 0 : i32
    %dma_start3A_101 = tpu.memref_slice %arg3[%dma_start3A_99, %dma_start3A_100] : memref<1000000x64xf32, #tpu.memory_space<hbm>> -> memref<1000000x64xf32, #tpu.memory_space<hbm>>
    tpu.enqueue_indirect_dma source(%dma_start3A_101 : memref<1000000x64xf32, #tpu.memory_space<hbm>>) target(%dma_start3A_95 : memref<40x64xf32, #tpu.memory_space<vmem>>) offsets(%dma_start3A_98 : memref<40xi32, #tpu.memory_space<vmem>>) semaphore(%arg12 : memref<!tpu.dma_semaphore, #tpu.memory_space<semaphore_mem>>)
    %scan3A = arith.constant 0 : i32
    %scan3A_102 = arith.constant 0 : i32
    %scan3A_103 = arith.constant 42 : i32
    %scan3A_104 = arith.addi %scan3A_102, %scan3A_103 : i32
    %scan3A_105 = arith.constant 1 : i32
    scf.for %scan3A_255 = %scan3A_102 to %scan3A_104 step %scan3A_105  : i32 {
      %mul3A_256 = arith.constant 3 : i32
      %mul3A_257 = arith.muli %mul3A_256, %scan3A_255 : i32
      %add3A_258 = arith.constant 0 : i32
      %add3A_259 = arith.addi %mul3A_257, %add3A_258 : i32
      %dma_wait3A_260 = arith.constant 0 : i32
      %dma_wait3A_261 = arith.constant 0 : i32
      %dma_wait3A_262 = arith.constant 0 : i32
      %dma_wait3A_263 = tpu.memref_slice %arg8[%dma_wait3A_261, %dma_wait3A_262] : memref<200x64xf32, #tpu.memory_space<vmem>> -> memref<40x64xf32, #tpu.memory_space<vmem>>
      %dma_wait3A_264 = arith.constant 0 : i32
      %dma_wait3A_265 = tpu.memref_slice %arg6[%dma_wait3A_260, %dma_wait3A_264] : memref<128x200xi32, #tpu.memory_space<vmem>> -> memref<1x40xi32, #tpu.memory_space<vmem>>
      %dma_wait3A_266 = tpu.memref_squeeze %dma_wait3A_265 : memref<1x40xi32, #tpu.memory_space<vmem>> -> memref<40xi32, #tpu.memory_space<vmem>>
      %dma_wait3A_267 = arith.constant 0 : i32
      %dma_wait3A_268 = arith.constant 0 : i32
      %dma_wait3A_269 = tpu.memref_slice %arg3[%dma_wait3A_267, %dma_wait3A_268] : memref<1000000x64xf32, #tpu.memory_space<hbm>> -> memref<1000000x64xf32, #tpu.memory_space<hbm>>
      tpu.wait_indirect_dma semaphore(%arg11 : memref<!tpu.dma_semaphore, #tpu.memory_space<semaphore_mem>>) src(%dma_wait3A_269 : memref<1000000x64xf32, #tpu.memory_space<hbm>>) dst(%dma_wait3A_263 : memref<40x64xf32, #tpu.memory_space<vmem>>)
      %dma_wait3A_270 = arith.constant 0 : i32
      %dma_wait3A_271 = arith.constant 40 : i32
      %dma_wait3A_272 = arith.constant 0 : i32
      %dma_wait3A_273 = tpu.memref_slice %arg8[%dma_wait3A_271, %dma_wait3A_272] : memref<200x64xf32, #tpu.memory_space<vmem>> -> memref<40x64xf32, #tpu.memory_space<vmem>>
      %dma_wait3A_274 = arith.constant 0 : i32
      %dma_wait3A_275 = tpu.memref_slice %arg6[%dma_wait3A_270, %dma_wait3A_274] : memref<128x200xi32, #tpu.memory_space<vmem>> -> memref<1x40xi32, #tpu.memory_space<vmem>>
      %dma_wait3A_276 = tpu.memref_squeeze %dma_wait3A_275 : memref<1x40xi32, #tpu.memory_space<vmem>> -> memref<40xi32, #tpu.memory_space<vmem>>
      %dma_wait3A_277 = arith.constant 0 : i32
      %dma_wait3A_278 = arith.constant 0 : i32
      %dma_wait3A_279 = tpu.memref_slice %arg3[%dma_wait3A_277, %dma_wait3A_278] : memref<1000000x64xf32, #tpu.memory_space<hbm>> -> memref<1000000x64xf32, #tpu.memory_space<hbm>>
      tpu.wait_indirect_dma semaphore(%arg11 : memref<!tpu.dma_semaphore, #tpu.memory_space<semaphore_mem>>) src(%dma_wait3A_279 : memref<1000000x64xf32, #tpu.memory_space<hbm>>) dst(%dma_wait3A_273 : memref<40x64xf32, #tpu.memory_space<vmem>>)
      %dma_wait3A_280 = arith.constant 0 : i32
      %dma_wait3A_281 = arith.constant 80 : i32
      %dma_wait3A_282 = arith.constant 0 : i32
      %dma_wait3A_283 = tpu.memref_slice %arg8[%dma_wait3A_281, %dma_wait3A_282] : memref<200x64xf32, #tpu.memory_space<vmem>> -> memref<40x64xf32, #tpu.memory_space<vmem>>
      %dma_wait3A_284 = arith.constant 0 : i32
      %dma_wait3A_285 = tpu.memref_slice %arg6[%dma_wait3A_280, %dma_wait3A_284] : memref<128x200xi32, #tpu.memory_space<vmem>> -> memref<1x40xi32, #tpu.memory_space<vmem>>
      %dma_wait3A_286 = tpu.memref_squeeze %dma_wait3A_285 : memref<1x40xi32, #tpu.memory_space<vmem>> -> memref<40xi32, #tpu.memory_space<vmem>>
      %dma_wait3A_287 = arith.constant 0 : i32
      %dma_wait3A_288 = arith.constant 0 : i32
      %dma_wait3A_289 = tpu.memref_slice %arg3[%dma_wait3A_287, %dma_wait3A_288] : memref<1000000x64xf32, #tpu.memory_space<hbm>> -> memref<1000000x64xf32, #tpu.memory_space<hbm>>
      tpu.wait_indirect_dma semaphore(%arg11 : memref<!tpu.dma_semaphore, #tpu.memory_space<semaphore_mem>>) src(%dma_wait3A_289 : memref<1000000x64xf32, #tpu.memory_space<hbm>>) dst(%dma_wait3A_283 : memref<40x64xf32, #tpu.memory_space<vmem>>)
      %dma_wait3A_290 = arith.constant 0 : i32
      %dma_wait3A_291 = arith.constant 120 : i32
      %dma_wait3A_292 = arith.constant 0 : i32
      %dma_wait3A_293 = tpu.memref_slice %arg8[%dma_wait3A_291, %dma_wait3A_292] : memref<200x64xf32, #tpu.memory_space<vmem>> -> memref<40x64xf32, #tpu.memory_space<vmem>>
      %dma_wait3A_294 = arith.constant 0 : i32
      %dma_wait3A_295 = tpu.memref_slice %arg6[%dma_wait3A_290, %dma_wait3A_294] : memref<128x200xi32, #tpu.memory_space<vmem>> -> memref<1x40xi32, #tpu.memory_space<vmem>>
      %dma_wait3A_296 = tpu.memref_squeeze %dma_wait3A_295 : memref<1x40xi32, #tpu.memory_space<vmem>> -> memref<40xi32, #tpu.memory_space<vmem>>
      %dma_wait3A_297 = arith.constant 0 : i32
      %dma_wait3A_298 = arith.constant 0 : i32
      %dma_wait3A_299 = tpu.memref_slice %arg3[%dma_wait3A_297, %dma_wait3A_298] : memref<1000000x64xf32, #tpu.memory_space<hbm>> -> memref<1000000x64xf32, #tpu.memory_space<hbm>>
      tpu.wait_indirect_dma semaphore(%arg11 : memref<!tpu.dma_semaphore, #tpu.memory_space<semaphore_mem>>) src(%dma_wait3A_299 : memref<1000000x64xf32, #tpu.memory_space<hbm>>) dst(%dma_wait3A_293 : memref<40x64xf32, #tpu.memory_space<vmem>>)
      %dma_wait3A_300 = arith.constant 0 : i32
      %dma_wait3A_301 = arith.constant 160 : i32
      %dma_wait3A_302 = arith.constant 0 : i32
      %dma_wait3A_303 = tpu.memref_slice %arg8[%dma_wait3A_301, %dma_wait3A_302] : memref<200x64xf32, #tpu.memory_space<vmem>> -> memref<40x64xf32, #tpu.memory_space<vmem>>
      %dma_wait3A_304 = arith.constant 0 : i32
      %dma_wait3A_305 = tpu.memref_slice %arg6[%dma_wait3A_300, %dma_wait3A_304] : memref<128x200xi32, #tpu.memory_space<vmem>> -> memref<1x40xi32, #tpu.memory_space<vmem>>
      %dma_wait3A_306 = tpu.memref_squeeze %dma_wait3A_305 : memref<1x40xi32, #tpu.memory_space<vmem>> -> memref<40xi32, #tpu.memory_space<vmem>>
      %dma_wait3A_307 = arith.constant 0 : i32
      %dma_wait3A_308 = arith.constant 0 : i32
      %dma_wait3A_309 = tpu.memref_slice %arg3[%dma_wait3A_307, %dma_wait3A_308] : memref<1000000x64xf32, #tpu.memory_space<hbm>> -> memref<1000000x64xf32, #tpu.memory_space<hbm>>
      tpu.wait_indirect_dma semaphore(%arg11 : memref<!tpu.dma_semaphore, #tpu.memory_space<semaphore_mem>>) src(%dma_wait3A_309 : memref<1000000x64xf32, #tpu.memory_space<hbm>>) dst(%dma_wait3A_303 : memref<40x64xf32, #tpu.memory_space<vmem>>)
      %parallel_loop3A_310 = arith.constant 0 : i32
      %parallel_loop3A_311 = arith.constant 200 : i32
      %parallel_loop3A_312 = arith.constant 1 : i32
      scf.for %parallel_loop3A_613 = %parallel_loop3A_310 to %parallel_loop3A_311 step %parallel_loop3A_312  : i32 {
        %parallel_loop3A_614 = arith.index_cast %parallel_loop3A_613 : i32 to index
        %parallel_loop3A_615 = arith.constant 0 : index
        %parallel_loop3A_616 = tpu.vector_load %arg8[%parallel_loop3A_614, %parallel_loop3A_615] {strides = array<i32>} : memref<200x64xf32, #tpu.memory_space<vmem>>, vector<1x16xf32>,
        %parallel_loop3A_617 = vector.shape_cast %parallel_loop3A_616 : vector<1x16xf32> to vector<16xf32>
        %parallel_loop3A_618 = arith.index_cast %parallel_loop3A_613 : i32 to index
        %parallel_loop3A_619 = arith.constant 0 : index
        %parallel_loop3A_620 = tpu.vector_load %arg7[%parallel_loop3A_618, %parallel_loop3A_619] {strides = array<i32>} : memref<200x64xf32, #tpu.memory_space<vmem>>, vector<1x16xf32>,
        %parallel_loop3A_621 = vector.shape_cast %parallel_loop3A_620 : vector<1x16xf32> to vector<16xf32>
        %parallel_loop3A_622 = arith.addf %parallel_loop3A_617, %parallel_loop3A_621 : vector<16xf32>
        %parallel_loop3A_623 = arith.index_cast %parallel_loop3A_613 : i32 to index
        %parallel_loop3A_624 = arith.constant 0 : index
        %parallel_loop3A_625 = tpu.vector_load %arg8[%parallel_loop3A_623, %parallel_loop3A_624] {strides = array<i32>} : memref<200x64xf32, #tpu.memory_space<vmem>>, vector<1x16xf32>,
        %parallel_loop3A_626 = vector.shape_cast %parallel_loop3A_625 : vector<1x16xf32> to vector<16xf32>
        %parallel_loop3A_627 = vector.shape_cast %parallel_loop3A_622 : vector<16xf32> to vector<1x16xf32>
        tpu.vector_store %arg8[%parallel_loop3A_623, %parallel_loop3A_624], %parallel_loop3A_627 {strides = array<i32>} : memref<200x64xf32, #tpu.memory_space<vmem>>, vector<1x16xf32>,
        %parallel_loop3A_628 = arith.index_cast %parallel_loop3A_613 : i32 to index
        %parallel_loop3A_629 = arith.constant 16 : index
        %parallel_loop3A_630 = tpu.vector_load %arg8[%parallel_loop3A_628, %parallel_loop3A_629] {strides = array<i32>} : memref<200x64xf32, #tpu.memory_space<vmem>>, vector<1x16xf32>,
        %parallel_loop3A_631 = vector.shape_cast %parallel_loop3A_630 : vector<1x16xf32> to vector<16xf32>
        %parallel_loop3A_632 = arith.index_cast %parallel_loop3A_613 : i32 to index
        %parallel_loop3A_633 = arith.constant 16 : index
        %parallel_loop3A_634 = tpu.vector_load %arg7[%parallel_loop3A_632, %parallel_loop3A_633] {strides = array<i32>} : memref<200x64xf32, #tpu.memory_space<vmem>>, vector<1x16xf32>,
        %parallel_loop3A_635 = vector.shape_cast %parallel_loop3A_634 : vector<1x16xf32> to vector<16xf32>
        %parallel_loop3A_636 = arith.addf %parallel_loop3A_631, %parallel_loop3A_635 : vector<16xf32>
        %parallel_loop3A_637 = arith.index_cast %parallel_loop3A_613 : i32 to index
        %parallel_loop3A_638 = arith.constant 16 : index
        %parallel_loop3A_639 = tpu.vector_load %arg8[%parallel_loop3A_637, %parallel_loop3A_638] {strides = array<i32>} : memref<200x64xf32, #tpu.memory_space<vmem>>, vector<1x16xf32>,
        %parallel_loop3A_640 = vector.shape_cast %parallel_loop3A_639 : vector<1x16xf32> to vector<16xf32>
        %parallel_loop3A_641 = vector.shape_cast %parallel_loop3A_636 : vector<16xf32> to vector<1x16xf32>
        tpu.vector_store %arg8[%parallel_loop3A_637, %parallel_loop3A_638], %parallel_loop3A_641 {strides = array<i32>} : memref<200x64xf32, #tpu.memory_space<vmem>>, vector<1x16xf32>,
        %parallel_loop3A_642 = arith.index_cast %parallel_loop3A_613 : i32 to index
        %parallel_loop3A_643 = arith.constant 32 : index
        %parallel_loop3A_644 = tpu.vector_load %arg8[%parallel_loop3A_642, %parallel_loop3A_643] {strides = array<i32>} : memref<200x64xf32, #tpu.memory_space<vmem>>, vector<1x16xf32>,
        %parallel_loop3A_645 = vector.shape_cast %parallel_loop3A_644 : vector<1x16xf32> to vector<16xf32>
        %parallel_loop3A_646 = arith.index_cast %parallel_loop3A_613 : i32 to index
        %parallel_loop3A_647 = arith.constant 32 : index
        %parallel_loop3A_648 = tpu.vector_load %arg7[%parallel_loop3A_646, %parallel_loop3A_647] {strides = array<i32>} : memref<200x64xf32, #tpu.memory_space<vmem>>, vector<1x16xf32>,
        %parallel_loop3A_649 = vector.shape_cast %parallel_loop3A_648 : vector<1x16xf32> to vector<16xf32>
        %parallel_loop3A_650 = arith.addf %parallel_loop3A_645, %parallel_loop3A_649 : vector<16xf32>
        %parallel_loop3A_651 = arith.index_cast %parallel_loop3A_613 : i32 to index
        %parallel_loop3A_652 = arith.constant 32 : index
        %parallel_loop3A_653 = tpu.vector_load %arg8[%parallel_loop3A_651, %parallel_loop3A_652] {strides = array<i32>} : memref<200x64xf32, #tpu.memory_space<vmem>>, vector<1x16xf32>,
        %parallel_loop3A_654 = vector.shape_cast %parallel_loop3A_653 : vector<1x16xf32> to vector<16xf32>
        %parallel_loop3A_655 = vector.shape_cast %parallel_loop3A_650 : vector<16xf32> to vector<1x16xf32>
        tpu.vector_store %arg8[%parallel_loop3A_651, %parallel_loop3A_652], %parallel_loop3A_655 {strides = array<i32>} : memref<200x64xf32, #tpu.memory_space<vmem>>, vector<1x16xf32>,
        %parallel_loop3A_656 = arith.index_cast %parallel_loop3A_613 : i32 to index
        %parallel_loop3A_657 = arith.constant 48 : index
        %parallel_loop3A_658 = tpu.vector_load %arg8[%parallel_loop3A_656, %parallel_loop3A_657] {strides = array<i32>} : memref<200x64xf32, #tpu.memory_space<vmem>>, vector<1x16xf32>,
        %parallel_loop3A_659 = vector.shape_cast %parallel_loop3A_658 : vector<1x16xf32> to vector<16xf32>
        %parallel_loop3A_660 = arith.index_cast %parallel_loop3A_613 : i32 to index
        %parallel_loop3A_661 = arith.constant 48 : index
        %parallel_loop3A_662 = tpu.vector_load %arg7[%parallel_loop3A_660, %parallel_loop3A_661] {strides = array<i32>} : memref<200x64xf32, #tpu.memory_space<vmem>>, vector<1x16xf32>,
        %parallel_loop3A_663 = vector.shape_cast %parallel_loop3A_662 : vector<1x16xf32> to vector<16xf32>
        %parallel_loop3A_664 = arith.addf %parallel_loop3A_659, %parallel_loop3A_663 : vector<16xf32>
        %parallel_loop3A_665 = arith.index_cast %parallel_loop3A_613 : i32 to index
        %parallel_loop3A_666 = arith.constant 48 : index
        %parallel_loop3A_667 = tpu.vector_load %arg8[%parallel_loop3A_665, %parallel_loop3A_666] {strides = array<i32>} : memref<200x64xf32, #tpu.memory_space<vmem>>, vector<1x16xf32>,
        %parallel_loop3A_668 = vector.shape_cast %parallel_loop3A_667 : vector<1x16xf32> to vector<16xf32>
        %parallel_loop3A_669 = vector.shape_cast %parallel_loop3A_664 : vector<16xf32> to vector<1x16xf32>
        tpu.vector_store %arg8[%parallel_loop3A_665, %parallel_loop3A_666], %parallel_loop3A_669 {strides = array<i32>} : memref<200x64xf32, #tpu.memory_space<vmem>>, vector<1x16xf32>,
      } {sc.loop_unroll_factor = 4 : i64, sc.parallel_access}
      %add3A_313 = arith.addi %mul3A_2, %add3A_259 : i32
      %dma_start3A_314 = arith.constant 0 : i32
      %dma_start3A_315 = arith.constant 0 : i32
      %dma_start3A_316 = tpu.memref_slice %arg5[%add3A_313, %dma_start3A_314, %dma_start3A_315] : memref<4096x200x64xf32, #tpu.memory_space<hbm>> -> memref<1x200x64xf32, #tpu.memory_space<hbm>>
      %dma_start3A_317 = tpu.memref_squeeze %dma_start3A_316 : memref<1x200x64xf32, #tpu.memory_space<hbm>> -> memref<200x64xf32, #tpu.memory_space<hbm>>
      %dma_start3A_318 = arith.constant 0 : i32
      %dma_start3A_319 = arith.constant 0 : i32
      %dma_start3A_320 = tpu.memref_slice %arg5[%add3A_313, %dma_start3A_318, %dma_start3A_319] : memref<4096x200x64xf32, #tpu.memory_space<hbm>> -> memref<1x200x64xf32, #tpu.memory_space<hbm>>
      %dma_start3A_321 = tpu.memref_squeeze %dma_start3A_320 : memref<1x200x64xf32, #tpu.memory_space<hbm>> -> memref<200x64xf32, #tpu.memory_space<hbm>>
      tpu.enqueue_dma source(%arg8 : memref<200x64xf32, #tpu.memory_space<vmem>>) target(%dma_start3A_321 : memref<200x64xf32, #tpu.memory_space<hbm>>) target_semaphore(%arg14 : memref<!tpu.dma_semaphore, #tpu.memory_space<semaphore_mem>>)
      %gt3A = arith.constant 0 : i32
      %gt3A_322 = arith.cmpi sgt, %scan3A_255, %gt3A : i32
      %convert_element_type3A = arith.extui %gt3A_322 : i1 to i32
      %cond3A = arith.constant 0 : i32
      %cond3A_323 = arith.cmpi ne, %convert_element_type3A, %cond3A : i32
      scf.if %cond3A_323 {
        %dma_wait3A_613 = arith.constant 0 : i32
        %dma_wait3A_614 = arith.constant 0 : i32
        %dma_wait3A_615 = tpu.memref_slice %arg5[%mul3A_2, %dma_wait3A_613, %dma_wait3A_614] : memref<4096x200x64xf32, #tpu.memory_space<hbm>> -> memref<1x200x64xf32, #tpu.memory_space<hbm>>
        %dma_wait3A_616 = tpu.memref_squeeze %dma_wait3A_615 : memref<1x200x64xf32, #tpu.memory_space<hbm>> -> memref<200x64xf32, #tpu.memory_space<hbm>>
        %dma_wait3A_617 = arith.constant 0 : i32
        %dma_wait3A_618 = arith.constant 0 : i32
        %dma_wait3A_619 = tpu.memref_slice %arg5[%mul3A_2, %dma_wait3A_617, %dma_wait3A_618] : memref<4096x200x64xf32, #tpu.memory_space<hbm>> -> memref<1x200x64xf32, #tpu.memory_space<hbm>>
        %dma_wait3A_620 = tpu.memref_squeeze %dma_wait3A_619 : memref<1x200x64xf32, #tpu.memory_space<hbm>> -> memref<200x64xf32, #tpu.memory_space<hbm>>
        tpu.wait_dma2 semaphore(%arg16 : memref<!tpu.dma_semaphore, #tpu.memory_space<semaphore_mem>>) src(%arg10 : memref<200x64xf32, #tpu.memory_space<vmem>>) dst(%dma_wait3A_620 : memref<200x64xf32, #tpu.memory_space<hbm>>)
      } else {
      }
      %add3A_324 = arith.constant 2 : i32
      %add3A_325 = arith.addi %add3A_259, %add3A_324 : i32
      %dma_start3A_326 = arith.constant 0 : i32
      %dma_start3A_327 = arith.constant 0 : i32
      %dma_start3A_328 = tpu.memref_slice %arg10[%dma_start3A_326, %dma_start3A_327] : memref<200x64xf32, #tpu.memory_space<vmem>> -> memref<40x64xf32, #tpu.memory_space<vmem>>
      %dma_start3A_329 = arith.constant 0 : i32
      %dma_start3A_330 = tpu.memref_slice %arg6[%add3A_325, %dma_start3A_329] : memref<128x200xi32, #tpu.memory_space<vmem>> -> memref<1x40xi32, #tpu.memory_space<vmem>>
      %dma_start3A_331 = tpu.memref_squeeze %dma_start3A_330 : memref<1x40xi32, #tpu.memory_space<vmem>> -> memref<40xi32, #tpu.memory_space<vmem>>
      %dma_start3A_332 = arith.constant 0 : i32
      %dma_start3A_333 = arith.constant 0 : i32
      %dma_start3A_334 = tpu.memref_slice %arg3[%dma_start3A_332, %dma_start3A_333] : memref<1000000x64xf32, #tpu.memory_space<hbm>> -> memref<1000000x64xf32, #tpu.memory_space<hbm>>
      tpu.enqueue_indirect_dma source(%dma_start3A_334 : memref<1000000x64xf32, #tpu.memory_space<hbm>>) target(%dma_start3A_328 : memref<40x64xf32, #tpu.memory_space<vmem>>) offsets(%dma_start3A_331 : memref<40xi32, #tpu.memory_space<vmem>>) semaphore(%arg13 : memref<!tpu.dma_semaphore, #tpu.memory_space<semaphore_mem>>)
      %dma_start3A_335 = arith.constant 40 : i32
      %dma_start3A_336 = arith.constant 0 : i32
      %dma_start3A_337 = tpu.memref_slice %arg10[%dma_start3A_335, %dma_start3A_336] : memref<200x64xf32, #tpu.memory_space<vmem>> -> memref<40x64xf32, #tpu.memory_space<vmem>>
      %dma_start3A_338 = arith.constant 40 : i32
      %dma_start3A_339 = tpu.memref_slice %arg6[%add3A_325, %dma_start3A_338] : memref<128x200xi32, #tpu.memory_space<vmem>> -> memref<1x40xi32, #tpu.memory_space<vmem>>
      %dma_start3A_340 = tpu.memref_squeeze %dma_start3A_339 : memref<1x40xi32, #tpu.memory_space<vmem>> -> memref<40xi32, #tpu.memory_space<vmem>>
      %dma_start3A_341 = arith.constant 0 : i32
      %dma_start3A_342 = arith.constant 0 : i32
      %dma_start3A_343 = tpu.memref_slice %arg3[%dma_start3A_341, %dma_start3A_342] : memref<1000000x64xf32, #tpu.memory_space<hbm>> -> memref<1000000x64xf32, #tpu.memory_space<hbm>>
      tpu.enqueue_indirect_dma source(%dma_start3A_343 : memref<1000000x64xf32, #tpu.memory_space<hbm>>) target(%dma_start3A_337 : memref<40x64xf32, #tpu.memory_space<vmem>>) offsets(%dma_start3A_340 : memref<40xi32, #tpu.memory_space<vmem>>) semaphore(%arg13 : memref<!tpu.dma_semaphore, #tpu.memory_space<semaphore_mem>>)
      %dma_start3A_344 = arith.constant 80 : i32
      %dma_start3A_345 = arith.constant 0 : i32
      %dma_start3A_346 = tpu.memref_slice %arg10[%dma_start3A_344, %dma_start3A_345] : memref<200x64xf32, #tpu.memory_space<vmem>> -> memref<40x64xf32, #tpu.memory_space<vmem>>
      %dma_start3A_347 = arith.constant 80 : i32
      %dma_start3A_348 = tpu.memref_slice %arg6[%add3A_325, %dma_start3A_347] : memref<128x200xi32, #tpu.memory_space<vmem>> -> memref<1x40xi32, #tpu.memory_space<vmem>>
      %dma_start3A_349 = tpu.memref_squeeze %dma_start3A_348 : memref<1x40xi32, #tpu.memory_space<vmem>> -> memref<40xi32, #tpu.memory_space<vmem>>
      %dma_start3A_350 = arith.constant 0 : i32
      %dma_start3A_351 = arith.constant 0 : i32
      %dma_start3A_352 = tpu.memref_slice %arg3[%dma_start3A_350, %dma_start3A_351] : memref<1000000x64xf32, #tpu.memory_space<hbm>> -> memref<1000000x64xf32, #tpu.memory_space<hbm>>
      tpu.enqueue_indirect_dma source(%dma_start3A_352 : memref<1000000x64xf32, #tpu.memory_space<hbm>>) target(%dma_start3A_346 : memref<40x64xf32, #tpu.memory_space<vmem>>) offsets(%dma_start3A_349 : memref<40xi32, #tpu.memory_space<vmem>>) semaphore(%arg13 : memref<!tpu.dma_semaphore, #tpu.memory_space<semaphore_mem>>)
      %dma_start3A_353 = arith.constant 120 : i32
      %dma_start3A_354 = arith.constant 0 : i32
      %dma_start3A_355 = tpu.memref_slice %arg10[%dma_start3A_353, %dma_start3A_354] : memref<200x64xf32, #tpu.memory_space<vmem>> -> memref<40x64xf32, #tpu.memory_space<vmem>>
      %dma_start3A_356 = arith.constant 120 : i32
      %dma_start3A_357 = tpu.memref_slice %arg6[%add3A_325, %dma_start3A_356] : memref<128x200xi32, #tpu.memory_space<vmem>> -> memref<1x40xi32, #tpu.memory_space<vmem>>
      %dma_start3A_358 = tpu.memref_squeeze %dma_start3A_357 : memref<1x40xi32, #tpu.memory_space<vmem>> -> memref<40xi32, #tpu.memory_space<vmem>>
      %dma_start3A_359 = arith.constant 0 : i32
      %dma_start3A_360 = arith.constant 0 : i32
      %dma_start3A_361 = tpu.memref_slice %arg3[%dma_start3A_359, %dma_start3A_360] : memref<1000000x64xf32, #tpu.memory_space<hbm>> -> memref<1000000x64xf32, #tpu.memory_space<hbm>>
      tpu.enqueue_indirect_dma source(%dma_start3A_361 : memref<1000000x64xf32, #tpu.memory_space<hbm>>) target(%dma_start3A_355 : memref<40x64xf32, #tpu.memory_space<vmem>>) offsets(%dma_start3A_358 : memref<40xi32, #tpu.memory_space<vmem>>) semaphore(%arg13 : memref<!tpu.dma_semaphore, #tpu.memory_space<semaphore_mem>>)
      %dma_start3A_362 = arith.constant 160 : i32
      %dma_start3A_363 = arith.constant 0 : i32
      %dma_start3A_364 = tpu.memref_slice %arg10[%dma_start3A_362, %dma_start3A_363] : memref<200x64xf32, #tpu.memory_space<vmem>> -> memref<40x64xf32, #tpu.memory_space<vmem>>
      %dma_start3A_365 = arith.constant 160 : i32
      %dma_start3A_366 = tpu.memref_slice %arg6[%add3A_325, %dma_start3A_365] : memref<128x200xi32, #tpu.memory_space<vmem>> -> memref<1x40xi32, #tpu.memory_space<vmem>>
      %dma_start3A_367 = tpu.memref_squeeze %dma_start3A_366 : memref<1x40xi32, #tpu.memory_space<vmem>> -> memref<40xi32, #tpu.memory_space<vmem>>
      %dma_start3A_368 = arith.constant 0 : i32
      %dma_start3A_369 = arith.constant 0 : i32
      %dma_start3A_370 = tpu.memref_slice %arg3[%dma_start3A_368, %dma_start3A_369] : memref<1000000x64xf32, #tpu.memory_space<hbm>> -> memref<1000000x64xf32, #tpu.memory_space<hbm>>
      tpu.enqueue_indirect_dma source(%dma_start3A_370 : memref<1000000x64xf32, #tpu.memory_space<hbm>>) target(%dma_start3A_364 : memref<40x64xf32, #tpu.memory_space<vmem>>) offsets(%dma_start3A_367 : memref<40xi32, #tpu.memory_space<vmem>>) semaphore(%arg13 : memref<!tpu.dma_semaphore, #tpu.memory_space<semaphore_mem>>)
      %mul3A_371 = arith.constant 3 : i32
      %mul3A_372 = arith.muli %mul3A_371, %scan3A_255 : i32
      %add3A_373 = arith.constant 1 : i32
      %add3A_374 = arith.addi %mul3A_372, %add3A_373 : i32
      %dma_wait3A_375 = arith.constant 0 : i32
      %dma_wait3A_376 = arith.constant 0 : i32
      %dma_wait3A_377 = arith.constant 0 : i32
      %dma_wait3A_378 = tpu.memref_slice %arg9[%dma_wait3A_376, %dma_wait3A_377] : memref<200x64xf32, #tpu.memory_space<vmem>> -> memref<40x64xf32, #tpu.memory_space<vmem>>
      %dma_wait3A_379 = arith.constant 0 : i32
      %dma_wait3A_380 = tpu.memref_slice %arg6[%dma_wait3A_375, %dma_wait3A_379] : memref<128x200xi32, #tpu.memory_space<vmem>> -> memref<1x40xi32, #tpu.memory_space<vmem>>
      %dma_wait3A_381 = tpu.memref_squeeze %dma_wait3A_380 : memref<1x40xi32, #tpu.memory_space<vmem>> -> memref<40xi32, #tpu.memory_space<vmem>>
      %dma_wait3A_382 = arith.constant 0 : i32
      %dma_wait3A_383 = arith.constant 0 : i32
      %dma_wait3A_384 = tpu.memref_slice %arg3[%dma_wait3A_382, %dma_wait3A_383] : memref<1000000x64xf32, #tpu.memory_space<hbm>> -> memref<1000000x64xf32, #tpu.memory_space<hbm>>
      tpu.wait_indirect_dma semaphore(%arg12 : memref<!tpu.dma_semaphore, #tpu.memory_space<semaphore_mem>>) src(%dma_wait3A_384 : memref<1000000x64xf32, #tpu.memory_space<hbm>>) dst(%dma_wait3A_378 : memref<40x64xf32, #tpu.memory_space<vmem>>)
      %dma_wait3A_385 = arith.constant 0 : i32
      %dma_wait3A_386 = arith.constant 40 : i32
      %dma_wait3A_387 = arith.constant 0 : i32
      %dma_wait3A_388 = tpu.memref_slice %arg9[%dma_wait3A_386, %dma_wait3A_387] : memref<200x64xf32, #tpu.memory_space<vmem>> -> memref<40x64xf32, #tpu.memory_space<vmem>>
      %dma_wait3A_389 = arith.constant 0 : i32
      %dma_wait3A_390 = tpu.memref_slice %arg6[%dma_wait3A_385, %dma_wait3A_389] : memref<128x200xi32, #tpu.memory_space<vmem>> -> memref<1x40xi32, #tpu.memory_space<vmem>>
      %dma_wait3A_391 = tpu.memref_squeeze %dma_wait3A_390 : memref<1x40xi32, #tpu.memory_space<vmem>> -> memref<40xi32, #tpu.memory_space<vmem>>
      %dma_wait3A_392 = arith.constant 0 : i32
      %dma_wait3A_393 = arith.constant 0 : i32
      %dma_wait3A_394 = tpu.memref_slice %arg3[%dma_wait3A_392, %dma_wait3A_393] : memref<1000000x64xf32, #tpu.memory_space<hbm>> -> memref<1000000x64xf32, #tpu.memory_space<hbm>>
      tpu.wait_indirect_dma semaphore(%arg12 : memref<!tpu.dma_semaphore, #tpu.memory_space<semaphore_mem>>) src(%dma_wait3A_394 : memref<1000000x64xf32, #tpu.memory_space<hbm>>) dst(%dma_wait3A_388 : memref<40x64xf32, #tpu.memory_space<vmem>>)
      %dma_wait3A_395 = arith.constant 0 : i32
      %dma_wait3A_396 = arith.constant 80 : i32
      %dma_wait3A_397 = arith.constant 0 : i32
      %dma_wait3A_398 = tpu.memref_slice %arg9[%dma_wait3A_396, %dma_wait3A_397] : memref<200x64xf32, #tpu.memory_space<vmem>> -> memref<40x64xf32, #tpu.memory_space<vmem>>
      %dma_wait3A_399 = arith.constant 0 : i32
      %dma_wait3A_400 = tpu.memref_slice %arg6[%dma_wait3A_395, %dma_wait3A_399] : memref<128x200xi32, #tpu.memory_space<vmem>> -> memref<1x40xi32, #tpu.memory_space<vmem>>
      %dma_wait3A_401 = tpu.memref_squeeze %dma_wait3A_400 : memref<1x40xi32, #tpu.memory_space<vmem>> -> memref<40xi32, #tpu.memory_space<vmem>>
      %dma_wait3A_402 = arith.constant 0 : i32
      %dma_wait3A_403 = arith.constant 0 : i32
      %dma_wait3A_404 = tpu.memref_slice %arg3[%dma_wait3A_402, %dma_wait3A_403] : memref<1000000x64xf32, #tpu.memory_space<hbm>> -> memref<1000000x64xf32, #tpu.memory_space<hbm>>
      tpu.wait_indirect_dma semaphore(%arg12 : memref<!tpu.dma_semaphore, #tpu.memory_space<semaphore_mem>>) src(%dma_wait3A_404 : memref<1000000x64xf32, #tpu.memory_space<hbm>>) dst(%dma_wait3A_398 : memref<40x64xf32, #tpu.memory_space<vmem>>)
      %dma_wait3A_405 = arith.constant 0 : i32
      %dma_wait3A_406 = arith.constant 120 : i32
      %dma_wait3A_407 = arith.constant 0 : i32
      %dma_wait3A_408 = tpu.memref_slice %arg9[%dma_wait3A_406, %dma_wait3A_407] : memref<200x64xf32, #tpu.memory_space<vmem>> -> memref<40x64xf32, #tpu.memory_space<vmem>>
      %dma_wait3A_409 = arith.constant 0 : i32
      %dma_wait3A_410 = tpu.memref_slice %arg6[%dma_wait3A_405, %dma_wait3A_409] : memref<128x200xi32, #tpu.memory_space<vmem>> -> memref<1x40xi32, #tpu.memory_space<vmem>>
      %dma_wait3A_411 = tpu.memref_squeeze %dma_wait3A_410 : memref<1x40xi32, #tpu.memory_space<vmem>> -> memref<40xi32, #tpu.memory_space<vmem>>
      %dma_wait3A_412 = arith.constant 0 : i32
      %dma_wait3A_413 = arith.constant 0 : i32
      %dma_wait3A_414 = tpu.memref_slice %arg3[%dma_wait3A_412, %dma_wait3A_413] : memref<1000000x64xf32, #tpu.memory_space<hbm>> -> memref<1000000x64xf32, #tpu.memory_space<hbm>>
      tpu.wait_indirect_dma semaphore(%arg12 : memref<!tpu.dma_semaphore, #tpu.memory_space<semaphore_mem>>) src(%dma_wait3A_414 : memref<1000000x64xf32, #tpu.memory_space<hbm>>) dst(%dma_wait3A_408 : memref<40x64xf32, #tpu.memory_space<vmem>>)
      %dma_wait3A_415 = arith.constant 0 : i32
      %dma_wait3A_416 = arith.constant 160 : i32
      %dma_wait3A_417 = arith.constant 0 : i32
      %dma_wait3A_418 = tpu.memref_slice %arg9[%dma_wait3A_416, %dma_wait3A_417] : memref<200x64xf32, #tpu.memory_space<vmem>> -> memref<40x64xf32, #tpu.memory_space<vmem>>
      %dma_wait3A_419 = arith.constant 0 : i32
      %dma_wait3A_420 = tpu.memref_slice %arg6[%dma_wait3A_415, %dma_wait3A_419] : memref<128x200xi32, #tpu.memory_space<vmem>> -> memref<1x40xi32, #tpu.memory_space<vmem>>
      %dma_wait3A_421 = tpu.memref_squeeze %dma_wait3A_420 : memref<1x40xi32, #tpu.memory_space<vmem>> -> memref<40xi32, #tpu.memory_space<vmem>>
      %dma_wait3A_422 = arith.constant 0 : i32
      %dma_wait3A_423 = arith.constant 0 : i32
      %dma_wait3A_424 = tpu.memref_slice %arg3[%dma_wait3A_422, %dma_wait3A_423] : memref<1000000x64xf32, #tpu.memory_space<hbm>> -> memref<1000000x64xf32, #tpu.memory_space<hbm>>
      tpu.wait_indirect_dma semaphore(%arg12 : memref<!tpu.dma_semaphore, #tpu.memory_space<semaphore_mem>>) src(%dma_wait3A_424 : memref<1000000x64xf32, #tpu.memory_space<hbm>>) dst(%dma_wait3A_418 : memref<40x64xf32, #tpu.memory_space<vmem>>)
      %parallel_loop3A_425 = arith.constant 0 : i32
      %parallel_loop3A_426 = arith.constant 200 : i32
      %parallel_loop3A_427 = arith.constant 1 : i32
      scf.for %parallel_loop3A_613 = %parallel_loop3A_425 to %parallel_loop3A_426 step %parallel_loop3A_427  : i32 {
        %parallel_loop3A_614 = arith.index_cast %parallel_loop3A_613 : i32 to index
        %parallel_loop3A_615 = arith.constant 0 : index
        %parallel_loop3A_616 = tpu.vector_load %arg9[%parallel_loop3A_614, %parallel_loop3A_615] {strides = array<i32>} : memref<200x64xf32, #tpu.memory_space<vmem>>, vector<1x16xf32>,
        %parallel_loop3A_617 = vector.shape_cast %parallel_loop3A_616 : vector<1x16xf32> to vector<16xf32>
        %parallel_loop3A_618 = arith.index_cast %parallel_loop3A_613 : i32 to index
        %parallel_loop3A_619 = arith.constant 0 : index
        %parallel_loop3A_620 = tpu.vector_load %arg7[%parallel_loop3A_618, %parallel_loop3A_619] {strides = array<i32>} : memref<200x64xf32, #tpu.memory_space<vmem>>, vector<1x16xf32>,
        %parallel_loop3A_621 = vector.shape_cast %parallel_loop3A_620 : vector<1x16xf32> to vector<16xf32>
        %parallel_loop3A_622 = arith.addf %parallel_loop3A_617, %parallel_loop3A_621 : vector<16xf32>
        %parallel_loop3A_623 = arith.index_cast %parallel_loop3A_613 : i32 to index
        %parallel_loop3A_624 = arith.constant 0 : index
        %parallel_loop3A_625 = tpu.vector_load %arg9[%parallel_loop3A_623, %parallel_loop3A_624] {strides = array<i32>} : memref<200x64xf32, #tpu.memory_space<vmem>>, vector<1x16xf32>,
        %parallel_loop3A_626 = vector.shape_cast %parallel_loop3A_625 : vector<1x16xf32> to vector<16xf32>
        %parallel_loop3A_627 = vector.shape_cast %parallel_loop3A_622 : vector<16xf32> to vector<1x16xf32>
        tpu.vector_store %arg9[%parallel_loop3A_623, %parallel_loop3A_624], %parallel_loop3A_627 {strides = array<i32>} : memref<200x64xf32, #tpu.memory_space<vmem>>, vector<1x16xf32>,
        %parallel_loop3A_628 = arith.index_cast %parallel_loop3A_613 : i32 to index
        %parallel_loop3A_629 = arith.constant 16 : index
        %parallel_loop3A_630 = tpu.vector_load %arg9[%parallel_loop3A_628, %parallel_loop3A_629] {strides = array<i32>} : memref<200x64xf32, #tpu.memory_space<vmem>>, vector<1x16xf32>,
        %parallel_loop3A_631 = vector.shape_cast %parallel_loop3A_630 : vector<1x16xf32> to vector<16xf32>
        %parallel_loop3A_632 = arith.index_cast %parallel_loop3A_613 : i32 to index
        %parallel_loop3A_633 = arith.constant 16 : index
        %parallel_loop3A_634 = tpu.vector_load %arg7[%parallel_loop3A_632, %parallel_loop3A_633] {strides = array<i32>} : memref<200x64xf32, #tpu.memory_space<vmem>>, vector<1x16xf32>,
        %parallel_loop3A_635 = vector.shape_cast %parallel_loop3A_634 : vector<1x16xf32> to vector<16xf32>
        %parallel_loop3A_636 = arith.addf %parallel_loop3A_631, %parallel_loop3A_635 : vector<16xf32>
        %parallel_loop3A_637 = arith.index_cast %parallel_loop3A_613 : i32 to index
        %parallel_loop3A_638 = arith.constant 16 : index
        %parallel_loop3A_639 = tpu.vector_load %arg9[%parallel_loop3A_637, %parallel_loop3A_638] {strides = array<i32>} : memref<200x64xf32, #tpu.memory_space<vmem>>, vector<1x16xf32>,
        %parallel_loop3A_640 = vector.shape_cast %parallel_loop3A_639 : vector<1x16xf32> to vector<16xf32>
        %parallel_loop3A_641 = vector.shape_cast %parallel_loop3A_636 : vector<16xf32> to vector<1x16xf32>
        tpu.vector_store %arg9[%parallel_loop3A_637, %parallel_loop3A_638], %parallel_loop3A_641 {strides = array<i32>} : memref<200x64xf32, #tpu.memory_space<vmem>>, vector<1x16xf32>,
        %parallel_loop3A_642 = arith.index_cast %parallel_loop3A_613 : i32 to index
        %parallel_loop3A_643 = arith.constant 32 : index
        %parallel_loop3A_644 = tpu.vector_load %arg9[%parallel_loop3A_642, %parallel_loop3A_643] {strides = array<i32>} : memref<200x64xf32, #tpu.memory_space<vmem>>, vector<1x16xf32>,
        %parallel_loop3A_645 = vector.shape_cast %parallel_loop3A_644 : vector<1x16xf32> to vector<16xf32>
        %parallel_loop3A_646 = arith.index_cast %parallel_loop3A_613 : i32 to index
        %parallel_loop3A_647 = arith.constant 32 : index
        %parallel_loop3A_648 = tpu.vector_load %arg7[%parallel_loop3A_646, %parallel_loop3A_647] {strides = array<i32>} : memref<200x64xf32, #tpu.memory_space<vmem>>, vector<1x16xf32>,
        %parallel_loop3A_649 = vector.shape_cast %parallel_loop3A_648 : vector<1x16xf32> to vector<16xf32>
        %parallel_loop3A_650 = arith.addf %parallel_loop3A_645, %parallel_loop3A_649 : vector<16xf32>
        %parallel_loop3A_651 = arith.index_cast %parallel_loop3A_613 : i32 to index
        %parallel_loop3A_652 = arith.constant 32 : index
        %parallel_loop3A_653 = tpu.vector_load %arg9[%parallel_loop3A_651, %parallel_loop3A_652] {strides = array<i32>} : memref<200x64xf32, #tpu.memory_space<vmem>>, vector<1x16xf32>,
        %parallel_loop3A_654 = vector.shape_cast %parallel_loop3A_653 : vector<1x16xf32> to vector<16xf32>
        %parallel_loop3A_655 = vector.shape_cast %parallel_loop3A_650 : vector<16xf32> to vector<1x16xf32>
        tpu.vector_store %arg9[%parallel_loop3A_651, %parallel_loop3A_652], %parallel_loop3A_655 {strides = array<i32>} : memref<200x64xf32, #tpu.memory_space<vmem>>, vector<1x16xf32>,
        %parallel_loop3A_656 = arith.index_cast %parallel_loop3A_613 : i32 to index
        %parallel_loop3A_657 = arith.constant 48 : index
        %parallel_loop3A_658 = tpu.vector_load %arg9[%parallel_loop3A_656, %parallel_loop3A_657] {strides = array<i32>} : memref<200x64xf32, #tpu.memory_space<vmem>>, vector<1x16xf32>,
        %parallel_loop3A_659 = vector.shape_cast %parallel_loop3A_658 : vector<1x16xf32> to vector<16xf32>
        %parallel_loop3A_660 = arith.index_cast %parallel_loop3A_613 : i32 to index
        %parallel_loop3A_661 = arith.constant 48 : index
        %parallel_loop3A_662 = tpu.vector_load %arg7[%parallel_loop3A_660, %parallel_loop3A_661] {strides = array<i32>} : memref<200x64xf32, #tpu.memory_space<vmem>>, vector<1x16xf32>,
        %parallel_loop3A_663 = vector.shape_cast %parallel_loop3A_662 : vector<1x16xf32> to vector<16xf32>
        %parallel_loop3A_664 = arith.addf %parallel_loop3A_659, %parallel_loop3A_663 : vector<16xf32>
        %parallel_loop3A_665 = arith.index_cast %parallel_loop3A_613 : i32 to index
        %parallel_loop3A_666 = arith.constant 48 : index
        %parallel_loop3A_667 = tpu.vector_load %arg9[%parallel_loop3A_665, %parallel_loop3A_666] {strides = array<i32>} : memref<200x64xf32, #tpu.memory_space<vmem>>, vector<1x16xf32>,
        %parallel_loop3A_668 = vector.shape_cast %parallel_loop3A_667 : vector<1x16xf32> to vector<16xf32>
        %parallel_loop3A_669 = vector.shape_cast %parallel_loop3A_664 : vector<16xf32> to vector<1x16xf32>
        tpu.vector_store %arg9[%parallel_loop3A_665, %parallel_loop3A_666], %parallel_loop3A_669 {strides = array<i32>} : memref<200x64xf32, #tpu.memory_space<vmem>>, vector<1x16xf32>,
      } {sc.loop_unroll_factor = 4 : i64, sc.parallel_access}
      %add3A_428 = arith.addi %mul3A_2, %add3A_374 : i32
      %dma_start3A_429 = arith.constant 0 : i32
      %dma_start3A_430 = arith.constant 0 : i32
      %dma_start3A_431 = tpu.memref_slice %arg5[%add3A_428, %dma_start3A_429, %dma_start3A_430] : memref<4096x200x64xf32, #tpu.memory_space<hbm>> -> memref<1x200x64xf32, #tpu.memory_space<hbm>>
      %dma_start3A_432 = tpu.memref_squeeze %dma_start3A_431 : memref<1x200x64xf32, #tpu.memory_space<hbm>> -> memref<200x64xf32, #tpu.memory_space<hbm>>
      %dma_start3A_433 = arith.constant 0 : i32
      %dma_start3A_434 = arith.constant 0 : i32
      %dma_start3A_435 = tpu.memref_slice %arg5[%add3A_428, %dma_start3A_433, %dma_start3A_434] : memref<4096x200x64xf32, #tpu.memory_space<hbm>> -> memref<1x200x64xf32, #tpu.memory_space<hbm>>
      %dma_start3A_436 = tpu.memref_squeeze %dma_start3A_435 : memref<1x200x64xf32, #tpu.memory_space<hbm>> -> memref<200x64xf32, #tpu.memory_space<hbm>>
      tpu.enqueue_dma source(%arg9 : memref<200x64xf32, #tpu.memory_space<vmem>>) target(%dma_start3A_436 : memref<200x64xf32, #tpu.memory_space<hbm>>) target_semaphore(%arg15 : memref<!tpu.dma_semaphore, #tpu.memory_space<semaphore_mem>>)
      %dma_wait3A_437 = arith.constant 0 : i32
      %dma_wait3A_438 = arith.constant 0 : i32
      %dma_wait3A_439 = tpu.memref_slice %arg5[%mul3A_2, %dma_wait3A_437, %dma_wait3A_438] : memref<4096x200x64xf32, #tpu.memory_space<hbm>> -> memref<1x200x64xf32, #tpu.memory_space<hbm>>
      %dma_wait3A_440 = tpu.memref_squeeze %dma_wait3A_439 : memref<1x200x64xf32, #tpu.memory_space<hbm>> -> memref<200x64xf32, #tpu.memory_space<hbm>>
      %dma_wait3A_441 = arith.constant 0 : i32
      %dma_wait3A_442 = arith.constant 0 : i32
      %dma_wait3A_443 = tpu.memref_slice %arg5[%mul3A_2, %dma_wait3A_441, %dma_wait3A_442] : memref<4096x200x64xf32, #tpu.memory_space<hbm>> -> memref<1x200x64xf32, #tpu.memory_space<hbm>>
      %dma_wait3A_444 = tpu.memref_squeeze %dma_wait3A_443 : memref<1x200x64xf32, #tpu.memory_space<hbm>> -> memref<200x64xf32, #tpu.memory_space<hbm>>
      tpu.wait_dma2 semaphore(%arg14 : memref<!tpu.dma_semaphore, #tpu.memory_space<semaphore_mem>>) src(%arg8 : memref<200x64xf32, #tpu.memory_space<vmem>>) dst(%dma_wait3A_444 : memref<200x64xf32, #tpu.memory_space<hbm>>)
      %add3A_445 = arith.constant 2 : i32
      %add3A_446 = arith.addi %add3A_374, %add3A_445 : i32
      %dma_start3A_447 = arith.constant 0 : i32
      %dma_start3A_448 = arith.constant 0 : i32
      %dma_start3A_449 = tpu.memref_slice %arg8[%dma_start3A_447, %dma_start3A_448] : memref<200x64xf32, #tpu.memory_space<vmem>> -> memref<40x64xf32, #tpu.memory_space<vmem>>
      %dma_start3A_450 = arith.constant 0 : i32
      %dma_start3A_451 = tpu.memref_slice %arg6[%add3A_446, %dma_start3A_450] : memref<128x200xi32, #tpu.memory_space<vmem>> -> memref<1x40xi32, #tpu.memory_space<vmem>>
      %dma_start3A_452 = tpu.memref_squeeze %dma_start3A_451 : memref<1x40xi32, #tpu.memory_space<vmem>> -> memref<40xi32, #tpu.memory_space<vmem>>
      %dma_start3A_453 = arith.constant 0 : i32
      %dma_start3A_454 = arith.constant 0 : i32
      %dma_start3A_455 = tpu.memref_slice %arg3[%dma_start3A_453, %dma_start3A_454] : memref<1000000x64xf32, #tpu.memory_space<hbm>> -> memref<1000000x64xf32, #tpu.memory_space<hbm>>
      tpu.enqueue_indirect_dma source(%dma_start3A_455 : memref<1000000x64xf32, #tpu.memory_space<hbm>>) target(%dma_start3A_449 : memref<40x64xf32, #tpu.memory_space<vmem>>) offsets(%dma_start3A_452 : memref<40xi32, #tpu.memory_space<vmem>>) semaphore(%arg11 : memref<!tpu.dma_semaphore, #tpu.memory_space<semaphore_mem>>)
      %dma_start3A_456 = arith.constant 40 : i32
      %dma_start3A_457 = arith.constant 0 : i32
      %dma_start3A_458 = tpu.memref_slice %arg8[%dma_start3A_456, %dma_start3A_457] : memref<200x64xf32, #tpu.memory_space<vmem>> -> memref<40x64xf32, #tpu.memory_space<vmem>>
      %dma_start3A_459 = arith.constant 40 : i32
      %dma_start3A_460 = tpu.memref_slice %arg6[%add3A_446, %dma_start3A_459] : memref<128x200xi32, #tpu.memory_space<vmem>> -> memref<1x40xi32, #tpu.memory_space<vmem>>
      %dma_start3A_461 = tpu.memref_squeeze %dma_start3A_460 : memref<1x40xi32, #tpu.memory_space<vmem>> -> memref<40xi32, #tpu.memory_space<vmem>>
      %dma_start3A_462 = arith.constant 0 : i32
      %dma_start3A_463 = arith.constant 0 : i32
      %dma_start3A_464 = tpu.memref_slice %arg3[%dma_start3A_462, %dma_start3A_463] : memref<1000000x64xf32, #tpu.memory_space<hbm>> -> memref<1000000x64xf32, #tpu.memory_space<hbm>>
      tpu.enqueue_indirect_dma source(%dma_start3A_464 : memref<1000000x64xf32, #tpu.memory_space<hbm>>) target(%dma_start3A_458 : memref<40x64xf32, #tpu.memory_space<vmem>>) offsets(%dma_start3A_461 : memref<40xi32, #tpu.memory_space<vmem>>) semaphore(%arg11 : memref<!tpu.dma_semaphore, #tpu.memory_space<semaphore_mem>>)
      %dma_start3A_465 = arith.constant 80 : i32
      %dma_start3A_466 = arith.constant 0 : i32
      %dma_start3A_467 = tpu.memref_slice %arg8[%dma_start3A_465, %dma_start3A_466] : memref<200x64xf32, #tpu.memory_space<vmem>> -> memref<40x64xf32, #tpu.memory_space<vmem>>
      %dma_start3A_468 = arith.constant 80 : i32
      %dma_start3A_469 = tpu.memref_slice %arg6[%add3A_446, %dma_start3A_468] : memref<128x200xi32, #tpu.memory_space<vmem>> -> memref<1x40xi32, #tpu.memory_space<vmem>>
      %dma_start3A_470 = tpu.memref_squeeze %dma_start3A_469 : memref<1x40xi32, #tpu.memory_space<vmem>> -> memref<40xi32, #tpu.memory_space<vmem>>
      %dma_start3A_471 = arith.constant 0 : i32
      %dma_start3A_472 = arith.constant 0 : i32
      %dma_start3A_473 = tpu.memref_slice %arg3[%dma_start3A_471, %dma_start3A_472] : memref<1000000x64xf32, #tpu.memory_space<hbm>> -> memref<1000000x64xf32, #tpu.memory_space<hbm>>
      tpu.enqueue_indirect_dma source(%dma_start3A_473 : memref<1000000x64xf32, #tpu.memory_space<hbm>>) target(%dma_start3A_467 : memref<40x64xf32, #tpu.memory_space<vmem>>) offsets(%dma_start3A_470 : memref<40xi32, #tpu.memory_space<vmem>>) semaphore(%arg11 : memref<!tpu.dma_semaphore, #tpu.memory_space<semaphore_mem>>)
      %dma_start3A_474 = arith.constant 120 : i32
      %dma_start3A_475 = arith.constant 0 : i32
      %dma_start3A_476 = tpu.memref_slice %arg8[%dma_start3A_474, %dma_start3A_475] : memref<200x64xf32, #tpu.memory_space<vmem>> -> memref<40x64xf32, #tpu.memory_space<vmem>>
      %dma_start3A_477 = arith.constant 120 : i32
      %dma_start3A_478 = tpu.memref_slice %arg6[%add3A_446, %dma_start3A_477] : memref<128x200xi32, #tpu.memory_space<vmem>> -> memref<1x40xi32, #tpu.memory_space<vmem>>
      %dma_start3A_479 = tpu.memref_squeeze %dma_start3A_478 : memref<1x40xi32, #tpu.memory_space<vmem>> -> memref<40xi32, #tpu.memory_space<vmem>>
      %dma_start3A_480 = arith.constant 0 : i32
      %dma_start3A_481 = arith.constant 0 : i32
      %dma_start3A_482 = tpu.memref_slice %arg3[%dma_start3A_480, %dma_start3A_481] : memref<1000000x64xf32, #tpu.memory_space<hbm>> -> memref<1000000x64xf32, #tpu.memory_space<hbm>>
      tpu.enqueue_indirect_dma source(%dma_start3A_482 : memref<1000000x64xf32, #tpu.memory_space<hbm>>) target(%dma_start3A_476 : memref<40x64xf32, #tpu.memory_space<vmem>>) offsets(%dma_start3A_479 : memref<40xi32, #tpu.memory_space<vmem>>) semaphore(%arg11 : memref<!tpu.dma_semaphore, #tpu.memory_space<semaphore_mem>>)
      %dma_start3A_483 = arith.constant 160 : i32
      %dma_start3A_484 = arith.constant 0 : i32
      %dma_start3A_485 = tpu.memref_slice %arg8[%dma_start3A_483, %dma_start3A_484] : memref<200x64xf32, #tpu.memory_space<vmem>> -> memref<40x64xf32, #tpu.memory_space<vmem>>
      %dma_start3A_486 = arith.constant 160 : i32
      %dma_start3A_487 = tpu.memref_slice %arg6[%add3A_446, %dma_start3A_486] : memref<128x200xi32, #tpu.memory_space<vmem>> -> memref<1x40xi32, #tpu.memory_space<vmem>>
      %dma_start3A_488 = tpu.memref_squeeze %dma_start3A_487 : memref<1x40xi32, #tpu.memory_space<vmem>> -> memref<40xi32, #tpu.memory_space<vmem>>
      %dma_start3A_489 = arith.constant 0 : i32
      %dma_start3A_490 = arith.constant 0 : i32
      %dma_start3A_491 = tpu.memref_slice %arg3[%dma_start3A_489, %dma_start3A_490] : memref<1000000x64xf32, #tpu.memory_space<hbm>> -> memref<1000000x64xf32, #tpu.memory_space<hbm>>
      tpu.enqueue_indirect_dma source(%dma_start3A_491 : memref<1000000x64xf32, #tpu.memory_space<hbm>>) target(%dma_start3A_485 : memref<40x64xf32, #tpu.memory_space<vmem>>) offsets(%dma_start3A_488 : memref<40xi32, #tpu.memory_space<vmem>>) semaphore(%arg11 : memref<!tpu.dma_semaphore, #tpu.memory_space<semaphore_mem>>)
      %mul3A_492 = arith.constant 3 : i32
      %mul3A_493 = arith.muli %mul3A_492, %scan3A_255 : i32
      %add3A_494 = arith.constant 2 : i32
      %add3A_495 = arith.addi %mul3A_493, %add3A_494 : i32
      %dma_wait3A_496 = arith.constant 0 : i32
      %dma_wait3A_497 = arith.constant 0 : i32
      %dma_wait3A_498 = arith.constant 0 : i32
      %dma_wait3A_499 = tpu.memref_slice %arg10[%dma_wait3A_497, %dma_wait3A_498] : memref<200x64xf32, #tpu.memory_space<vmem>> -> memref<40x64xf32, #tpu.memory_space<vmem>>
      %dma_wait3A_500 = arith.constant 0 : i32
      %dma_wait3A_501 = tpu.memref_slice %arg6[%dma_wait3A_496, %dma_wait3A_500] : memref<128x200xi32, #tpu.memory_space<vmem>> -> memref<1x40xi32, #tpu.memory_space<vmem>>
      %dma_wait3A_502 = tpu.memref_squeeze %dma_wait3A_501 : memref<1x40xi32, #tpu.memory_space<vmem>> -> memref<40xi32, #tpu.memory_space<vmem>>
      %dma_wait3A_503 = arith.constant 0 : i32
      %dma_wait3A_504 = arith.constant 0 : i32
      %dma_wait3A_505 = tpu.memref_slice %arg3[%dma_wait3A_503, %dma_wait3A_504] : memref<1000000x64xf32, #tpu.memory_space<hbm>> -> memref<1000000x64xf32, #tpu.memory_space<hbm>>
      tpu.wait_indirect_dma semaphore(%arg13 : memref<!tpu.dma_semaphore, #tpu.memory_space<semaphore_mem>>) src(%dma_wait3A_505 : memref<1000000x64xf32, #tpu.memory_space<hbm>>) dst(%dma_wait3A_499 : memref<40x64xf32, #tpu.memory_space<vmem>>)
      %dma_wait3A_506 = arith.constant 0 : i32
      %dma_wait3A_507 = arith.constant 40 : i32
      %dma_wait3A_508 = arith.constant 0 : i32
      %dma_wait3A_509 = tpu.memref_slice %arg10[%dma_wait3A_507, %dma_wait3A_508] : memref<200x64xf32, #tpu.memory_space<vmem>> -> memref<40x64xf32, #tpu.memory_space<vmem>>
      %dma_wait3A_510 = arith.constant 0 : i32
      %dma_wait3A_511 = tpu.memref_slice %arg6[%dma_wait3A_506, %dma_wait3A_510] : memref<128x200xi32, #tpu.memory_space<vmem>> -> memref<1x40xi32, #tpu.memory_space<vmem>>
      %dma_wait3A_512 = tpu.memref_squeeze %dma_wait3A_511 : memref<1x40xi32, #tpu.memory_space<vmem>> -> memref<40xi32, #tpu.memory_space<vmem>>
      %dma_wait3A_513 = arith.constant 0 : i32
      %dma_wait3A_514 = arith.constant 0 : i32
      %dma_wait3A_515 = tpu.memref_slice %arg3[%dma_wait3A_513, %dma_wait3A_514] : memref<1000000x64xf32, #tpu.memory_space<hbm>> -> memref<1000000x64xf32, #tpu.memory_space<hbm>>
      tpu.wait_indirect_dma semaphore(%arg13 : memref<!tpu.dma_semaphore, #tpu.memory_space<semaphore_mem>>) src(%dma_wait3A_515 : memref<1000000x64xf32, #tpu.memory_space<hbm>>) dst(%dma_wait3A_509 : memref<40x64xf32, #tpu.memory_space<vmem>>)
      %dma_wait3A_516 = arith.constant 0 : i32
      %dma_wait3A_517 = arith.constant 80 : i32
      %dma_wait3A_518 = arith.constant 0 : i32
      %dma_wait3A_519 = tpu.memref_slice %arg10[%dma_wait3A_517, %dma_wait3A_518] : memref<200x64xf32, #tpu.memory_space<vmem>> -> memref<40x64xf32, #tpu.memory_space<vmem>>
      %dma_wait3A_520 = arith.constant 0 : i32
      %dma_wait3A_521 = tpu.memref_slice %arg6[%dma_wait3A_516, %dma_wait3A_520] : memref<128x200xi32, #tpu.memory_space<vmem>> -> memref<1x40xi32, #tpu.memory_space<vmem>>
      %dma_wait3A_522 = tpu.memref_squeeze %dma_wait3A_521 : memref<1x40xi32, #tpu.memory_space<vmem>> -> memref<40xi32, #tpu.memory_space<vmem>>
      %dma_wait3A_523 = arith.constant 0 : i32
      %dma_wait3A_524 = arith.constant 0 : i32
      %dma_wait3A_525 = tpu.memref_slice %arg3[%dma_wait3A_523, %dma_wait3A_524] : memref<1000000x64xf32, #tpu.memory_space<hbm>> -> memref<1000000x64xf32, #tpu.memory_space<hbm>>
      tpu.wait_indirect_dma semaphore(%arg13 : memref<!tpu.dma_semaphore, #tpu.memory_space<semaphore_mem>>) src(%dma_wait3A_525 : memref<1000000x64xf32, #tpu.memory_space<hbm>>) dst(%dma_wait3A_519 : memref<40x64xf32, #tpu.memory_space<vmem>>)
      %dma_wait3A_526 = arith.constant 0 : i32
      %dma_wait3A_527 = arith.constant 120 : i32
      %dma_wait3A_528 = arith.constant 0 : i32
      %dma_wait3A_529 = tpu.memref_slice %arg10[%dma_wait3A_527, %dma_wait3A_528] : memref<200x64xf32, #tpu.memory_space<vmem>> -> memref<40x64xf32, #tpu.memory_space<vmem>>
      %dma_wait3A_530 = arith.constant 0 : i32
      %dma_wait3A_531 = tpu.memref_slice %arg6[%dma_wait3A_526, %dma_wait3A_530] : memref<128x200xi32, #tpu.memory_space<vmem>> -> memref<1x40xi32, #tpu.memory_space<vmem>>
      %dma_wait3A_532 = tpu.memref_squeeze %dma_wait3A_531 : memref<1x40xi32, #tpu.memory_space<vmem>> -> memref<40xi32, #tpu.memory_space<vmem>>
      %dma_wait3A_533 = arith.constant 0 : i32
      %dma_wait3A_534 = arith.constant 0 : i32
      %dma_wait3A_535 = tpu.memref_slice %arg3[%dma_wait3A_533, %dma_wait3A_534] : memref<1000000x64xf32, #tpu.memory_space<hbm>> -> memref<1000000x64xf32, #tpu.memory_space<hbm>>
      tpu.wait_indirect_dma semaphore(%arg13 : memref<!tpu.dma_semaphore, #tpu.memory_space<semaphore_mem>>) src(%dma_wait3A_535 : memref<1000000x64xf32, #tpu.memory_space<hbm>>) dst(%dma_wait3A_529 : memref<40x64xf32, #tpu.memory_space<vmem>>)
      %dma_wait3A_536 = arith.constant 0 : i32
      %dma_wait3A_537 = arith.constant 160 : i32
      %dma_wait3A_538 = arith.constant 0 : i32
      %dma_wait3A_539 = tpu.memref_slice %arg10[%dma_wait3A_537, %dma_wait3A_538] : memref<200x64xf32, #tpu.memory_space<vmem>> -> memref<40x64xf32, #tpu.memory_space<vmem>>
      %dma_wait3A_540 = arith.constant 0 : i32
      %dma_wait3A_541 = tpu.memref_slice %arg6[%dma_wait3A_536, %dma_wait3A_540] : memref<128x200xi32, #tpu.memory_space<vmem>> -> memref<1x40xi32, #tpu.memory_space<vmem>>
      %dma_wait3A_542 = tpu.memref_squeeze %dma_wait3A_541 : memref<1x40xi32, #tpu.memory_space<vmem>> -> memref<40xi32, #tpu.memory_space<vmem>>
      %dma_wait3A_543 = arith.constant 0 : i32
      %dma_wait3A_544 = arith.constant 0 : i32
      %dma_wait3A_545 = tpu.memref_slice %arg3[%dma_wait3A_543, %dma_wait3A_544] : memref<1000000x64xf32, #tpu.memory_space<hbm>> -> memref<1000000x64xf32, #tpu.memory_space<hbm>>
      tpu.wait_indirect_dma semaphore(%arg13 : memref<!tpu.dma_semaphore, #tpu.memory_space<semaphore_mem>>) src(%dma_wait3A_545 : memref<1000000x64xf32, #tpu.memory_space<hbm>>) dst(%dma_wait3A_539 : memref<40x64xf32, #tpu.memory_space<vmem>>)
      %parallel_loop3A_546 = arith.constant 0 : i32
      %parallel_loop3A_547 = arith.constant 200 : i32
      %parallel_loop3A_548 = arith.constant 1 : i32
      scf.for %parallel_loop3A_613 = %parallel_loop3A_546 to %parallel_loop3A_547 step %parallel_loop3A_548  : i32 {
        %parallel_loop3A_614 = arith.index_cast %parallel_loop3A_613 : i32 to index
        %parallel_loop3A_615 = arith.constant 0 : index
        %parallel_loop3A_616 = tpu.vector_load %arg10[%parallel_loop3A_614, %parallel_loop3A_615] {strides = array<i32>} : memref<200x64xf32, #tpu.memory_space<vmem>>, vector<1x16xf32>,
        %parallel_loop3A_617 = vector.shape_cast %parallel_loop3A_616 : vector<1x16xf32> to vector<16xf32>
        %parallel_loop3A_618 = arith.index_cast %parallel_loop3A_613 : i32 to index
        %parallel_loop3A_619 = arith.constant 0 : index
        %parallel_loop3A_620 = tpu.vector_load %arg7[%parallel_loop3A_618, %parallel_loop3A_619] {strides = array<i32>} : memref<200x64xf32, #tpu.memory_space<vmem>>, vector<1x16xf32>,
        %parallel_loop3A_621 = vector.shape_cast %parallel_loop3A_620 : vector<1x16xf32> to vector<16xf32>
        %parallel_loop3A_622 = arith.addf %parallel_loop3A_617, %parallel_loop3A_621 : vector<16xf32>
        %parallel_loop3A_623 = arith.index_cast %parallel_loop3A_613 : i32 to index
        %parallel_loop3A_624 = arith.constant 0 : index
        %parallel_loop3A_625 = tpu.vector_load %arg10[%parallel_loop3A_623, %parallel_loop3A_624] {strides = array<i32>} : memref<200x64xf32, #tpu.memory_space<vmem>>, vector<1x16xf32>,
        %parallel_loop3A_626 = vector.shape_cast %parallel_loop3A_625 : vector<1x16xf32> to vector<16xf32>
        %parallel_loop3A_627 = vector.shape_cast %parallel_loop3A_622 : vector<16xf32> to vector<1x16xf32>
        tpu.vector_store %arg10[%parallel_loop3A_623, %parallel_loop3A_624], %parallel_loop3A_627 {strides = array<i32>} : memref<200x64xf32, #tpu.memory_space<vmem>>, vector<1x16xf32>,
        %parallel_loop3A_628 = arith.index_cast %parallel_loop3A_613 : i32 to index
        %parallel_loop3A_629 = arith.constant 16 : index
        %parallel_loop3A_630 = tpu.vector_load %arg10[%parallel_loop3A_628, %parallel_loop3A_629] {strides = array<i32>} : memref<200x64xf32, #tpu.memory_space<vmem>>, vector<1x16xf32>,
        %parallel_loop3A_631 = vector.shape_cast %parallel_loop3A_630 : vector<1x16xf32> to vector<16xf32>
        %parallel_loop3A_632 = arith.index_cast %parallel_loop3A_613 : i32 to index
        %parallel_loop3A_633 = arith.constant 16 : index
        %parallel_loop3A_634 = tpu.vector_load %arg7[%parallel_loop3A_632, %parallel_loop3A_633] {strides = array<i32>} : memref<200x64xf32, #tpu.memory_space<vmem>>, vector<1x16xf32>,
        %parallel_loop3A_635 = vector.shape_cast %parallel_loop3A_634 : vector<1x16xf32> to vector<16xf32>
        %parallel_loop3A_636 = arith.addf %parallel_loop3A_631, %parallel_loop3A_635 : vector<16xf32>
        %parallel_loop3A_637 = arith.index_cast %parallel_loop3A_613 : i32 to index
        %parallel_loop3A_638 = arith.constant 16 : index
        %parallel_loop3A_639 = tpu.vector_load %arg10[%parallel_loop3A_637, %parallel_loop3A_638] {strides = array<i32>} : memref<200x64xf32, #tpu.memory_space<vmem>>, vector<1x16xf32>,
        %parallel_loop3A_640 = vector.shape_cast %parallel_loop3A_639 : vector<1x16xf32> to vector<16xf32>
        %parallel_loop3A_641 = vector.shape_cast %parallel_loop3A_636 : vector<16xf32> to vector<1x16xf32>
        tpu.vector_store %arg10[%parallel_loop3A_637, %parallel_loop3A_638], %parallel_loop3A_641 {strides = array<i32>} : memref<200x64xf32, #tpu.memory_space<vmem>>, vector<1x16xf32>,
        %parallel_loop3A_642 = arith.index_cast %parallel_loop3A_613 : i32 to index
        %parallel_loop3A_643 = arith.constant 32 : index
        %parallel_loop3A_644 = tpu.vector_load %arg10[%parallel_loop3A_642, %parallel_loop3A_643] {strides = array<i32>} : memref<200x64xf32, #tpu.memory_space<vmem>>, vector<1x16xf32>,
        %parallel_loop3A_645 = vector.shape_cast %parallel_loop3A_644 : vector<1x16xf32> to vector<16xf32>
        %parallel_loop3A_646 = arith.index_cast %parallel_loop3A_613 : i32 to index
        %parallel_loop3A_647 = arith.constant 32 : index
        %parallel_loop3A_648 = tpu.vector_load %arg7[%parallel_loop3A_646, %parallel_loop3A_647] {strides = array<i32>} : memref<200x64xf32, #tpu.memory_space<vmem>>, vector<1x16xf32>,
        %parallel_loop3A_649 = vector.shape_cast %parallel_loop3A_648 : vector<1x16xf32> to vector<16xf32>
        %parallel_loop3A_650 = arith.addf %parallel_loop3A_645, %parallel_loop3A_649 : vector<16xf32>
        %parallel_loop3A_651 = arith.index_cast %parallel_loop3A_613 : i32 to index
        %parallel_loop3A_652 = arith.constant 32 : index
        %parallel_loop3A_653 = tpu.vector_load %arg10[%parallel_loop3A_651, %parallel_loop3A_652] {strides = array<i32>} : memref<200x64xf32, #tpu.memory_space<vmem>>, vector<1x16xf32>,
        %parallel_loop3A_654 = vector.shape_cast %parallel_loop3A_653 : vector<1x16xf32> to vector<16xf32>
        %parallel_loop3A_655 = vector.shape_cast %parallel_loop3A_650 : vector<16xf32> to vector<1x16xf32>
        tpu.vector_store %arg10[%parallel_loop3A_651, %parallel_loop3A_652], %parallel_loop3A_655 {strides = array<i32>} : memref<200x64xf32, #tpu.memory_space<vmem>>, vector<1x16xf32>,
        %parallel_loop3A_656 = arith.index_cast %parallel_loop3A_613 : i32 to index
        %parallel_loop3A_657 = arith.constant 48 : index
        %parallel_loop3A_658 = tpu.vector_load %arg10[%parallel_loop3A_656, %parallel_loop3A_657] {strides = array<i32>} : memref<200x64xf32, #tpu.memory_space<vmem>>, vector<1x16xf32>,
        %parallel_loop3A_659 = vector.shape_cast %parallel_loop3A_658 : vector<1x16xf32> to vector<16xf32>
        %parallel_loop3A_660 = arith.index_cast %parallel_loop3A_613 : i32 to index
        %parallel_loop3A_661 = arith.constant 48 : index
        %parallel_loop3A_662 = tpu.vector_load %arg7[%parallel_loop3A_660, %parallel_loop3A_661] {strides = array<i32>} : memref<200x64xf32, #tpu.memory_space<vmem>>, vector<1x16xf32>,
        %parallel_loop3A_663 = vector.shape_cast %parallel_loop3A_662 : vector<1x16xf32> to vector<16xf32>
        %parallel_loop3A_664 = arith.addf %parallel_loop3A_659, %parallel_loop3A_663 : vector<16xf32>
        %parallel_loop3A_665 = arith.index_cast %parallel_loop3A_613 : i32 to index
        %parallel_loop3A_666 = arith.constant 48 : index
        %parallel_loop3A_667 = tpu.vector_load %arg10[%parallel_loop3A_665, %parallel_loop3A_666] {strides = array<i32>} : memref<200x64xf32, #tpu.memory_space<vmem>>, vector<1x16xf32>,
        %parallel_loop3A_668 = vector.shape_cast %parallel_loop3A_667 : vector<1x16xf32> to vector<16xf32>
        %parallel_loop3A_669 = vector.shape_cast %parallel_loop3A_664 : vector<16xf32> to vector<1x16xf32>
        tpu.vector_store %arg10[%parallel_loop3A_665, %parallel_loop3A_666], %parallel_loop3A_669 {strides = array<i32>} : memref<200x64xf32, #tpu.memory_space<vmem>>, vector<1x16xf32>,
      } {sc.loop_unroll_factor = 4 : i64, sc.parallel_access}
      %add3A_549 = arith.addi %mul3A_2, %add3A_495 : i32
      %dma_start3A_550 = arith.constant 0 : i32
      %dma_start3A_551 = arith.constant 0 : i32
      %dma_start3A_552 = tpu.memref_slice %arg5[%add3A_549, %dma_start3A_550, %dma_start3A_551] : memref<4096x200x64xf32, #tpu.memory_space<hbm>> -> memref<1x200x64xf32, #tpu.memory_space<hbm>>
      %dma_start3A_553 = tpu.memref_squeeze %dma_start3A_552 : memref<1x200x64xf32, #tpu.memory_space<hbm>> -> memref<200x64xf32, #tpu.memory_space<hbm>>
      %dma_start3A_554 = arith.constant 0 : i32
      %dma_start3A_555 = arith.constant 0 : i32
      %dma_start3A_556 = tpu.memref_slice %arg5[%add3A_549, %dma_start3A_554, %dma_start3A_555] : memref<4096x200x64xf32, #tpu.memory_space<hbm>> -> memref<1x200x64xf32, #tpu.memory_space<hbm>>
      %dma_start3A_557 = tpu.memref_squeeze %dma_start3A_556 : memref<1x200x64xf32, #tpu.memory_space<hbm>> -> memref<200x64xf32, #tpu.memory_space<hbm>>
      tpu.enqueue_dma source(%arg10 : memref<200x64xf32, #tpu.memory_space<vmem>>) target(%dma_start3A_557 : memref<200x64xf32, #tpu.memory_space<hbm>>) target_semaphore(%arg16 : memref<!tpu.dma_semaphore, #tpu.memory_space<semaphore_mem>>)
      %dma_wait3A_558 = arith.constant 0 : i32
      %dma_wait3A_559 = arith.constant 0 : i32
      %dma_wait3A_560 = tpu.memref_slice %arg5[%mul3A_2, %dma_wait3A_558, %dma_wait3A_559] : memref<4096x200x64xf32, #tpu.memory_space<hbm>> -> memref<1x200x64xf32, #tpu.memory_space<hbm>>
      %dma_wait3A_561 = tpu.memref_squeeze %dma_wait3A_560 : memref<1x200x64xf32, #tpu.memory_space<hbm>> -> memref<200x64xf32, #tpu.memory_space<hbm>>
      %dma_wait3A_562 = arith.constant 0 : i32
      %dma_wait3A_563 = arith.constant 0 : i32
      %dma_wait3A_564 = tpu.memref_slice %arg5[%mul3A_2, %dma_wait3A_562, %dma_wait3A_563] : memref<4096x200x64xf32, #tpu.memory_space<hbm>> -> memref<1x200x64xf32, #tpu.memory_space<hbm>>
      %dma_wait3A_565 = tpu.memref_squeeze %dma_wait3A_564 : memref<1x200x64xf32, #tpu.memory_space<hbm>> -> memref<200x64xf32, #tpu.memory_space<hbm>>
      tpu.wait_dma2 semaphore(%arg15 : memref<!tpu.dma_semaphore, #tpu.memory_space<semaphore_mem>>) src(%arg9 : memref<200x64xf32, #tpu.memory_space<vmem>>) dst(%dma_wait3A_565 : memref<200x64xf32, #tpu.memory_space<hbm>>)
      %add3A_566 = arith.constant 2 : i32
      %add3A_567 = arith.addi %add3A_495, %add3A_566 : i32
      %dma_start3A_568 = arith.constant 0 : i32
      %dma_start3A_569 = arith.constant 0 : i32
      %dma_start3A_570 = tpu.memref_slice %arg9[%dma_start3A_568, %dma_start3A_569] : memref<200x64xf32, #tpu.memory_space<vmem>> -> memref<40x64xf32, #tpu.memory_space<vmem>>
      %dma_start3A_571 = arith.constant 0 : i32
      %dma_start3A_572 = tpu.memref_slice %arg6[%add3A_567, %dma_start3A_571] : memref<128x200xi32, #tpu.memory_space<vmem>> -> memref<1x40xi32, #tpu.memory_space<vmem>>
      %dma_start3A_573 = tpu.memref_squeeze %dma_start3A_572 : memref<1x40xi32, #tpu.memory_space<vmem>> -> memref<40xi32, #tpu.memory_space<vmem>>
      %dma_start3A_574 = arith.constant 0 : i32
      %dma_start3A_575 = arith.constant 0 : i32
      %dma_start3A_576 = tpu.memref_slice %arg3[%dma_start3A_574, %dma_start3A_575] : memref<1000000x64xf32, #tpu.memory_space<hbm>> -> memref<1000000x64xf32, #tpu.memory_space<hbm>>
      tpu.enqueue_indirect_dma source(%dma_start3A_576 : memref<1000000x64xf32, #tpu.memory_space<hbm>>) target(%dma_start3A_570 : memref<40x64xf32, #tpu.memory_space<vmem>>) offsets(%dma_start3A_573 : memref<40xi32, #tpu.memory_space<vmem>>) semaphore(%arg12 : memref<!tpu.dma_semaphore, #tpu.memory_space<semaphore_mem>>)
      %dma_start3A_577 = arith.constant 40 : i32
      %dma_start3A_578 = arith.constant 0 : i32
      %dma_start3A_579 = tpu.memref_slice %arg9[%dma_start3A_577, %dma_start3A_578] : memref<200x64xf32, #tpu.memory_space<vmem>> -> memref<40x64xf32, #tpu.memory_space<vmem>>
      %dma_start3A_580 = arith.constant 40 : i32
      %dma_start3A_581 = tpu.memref_slice %arg6[%add3A_567, %dma_start3A_580] : memref<128x200xi32, #tpu.memory_space<vmem>> -> memref<1x40xi32, #tpu.memory_space<vmem>>
      %dma_start3A_582 = tpu.memref_squeeze %dma_start3A_581 : memref<1x40xi32, #tpu.memory_space<vmem>> -> memref<40xi32, #tpu.memory_space<vmem>>
      %dma_start3A_583 = arith.constant 0 : i32
      %dma_start3A_584 = arith.constant 0 : i32
      %dma_start3A_585 = tpu.memref_slice %arg3[%dma_start3A_583, %dma_start3A_584] : memref<1000000x64xf32, #tpu.memory_space<hbm>> -> memref<1000000x64xf32, #tpu.memory_space<hbm>>
      tpu.enqueue_indirect_dma source(%dma_start3A_585 : memref<1000000x64xf32, #tpu.memory_space<hbm>>) target(%dma_start3A_579 : memref<40x64xf32, #tpu.memory_space<vmem>>) offsets(%dma_start3A_582 : memref<40xi32, #tpu.memory_space<vmem>>) semaphore(%arg12 : memref<!tpu.dma_semaphore, #tpu.memory_space<semaphore_mem>>)
      %dma_start3A_586 = arith.constant 80 : i32
      %dma_start3A_587 = arith.constant 0 : i32
      %dma_start3A_588 = tpu.memref_slice %arg9[%dma_start3A_586, %dma_start3A_587] : memref<200x64xf32, #tpu.memory_space<vmem>> -> memref<40x64xf32, #tpu.memory_space<vmem>>
      %dma_start3A_589 = arith.constant 80 : i32
      %dma_start3A_590 = tpu.memref_slice %arg6[%add3A_567, %dma_start3A_589] : memref<128x200xi32, #tpu.memory_space<vmem>> -> memref<1x40xi32, #tpu.memory_space<vmem>>
      %dma_start3A_591 = tpu.memref_squeeze %dma_start3A_590 : memref<1x40xi32, #tpu.memory_space<vmem>> -> memref<40xi32, #tpu.memory_space<vmem>>
      %dma_start3A_592 = arith.constant 0 : i32
      %dma_start3A_593 = arith.constant 0 : i32
      %dma_start3A_594 = tpu.memref_slice %arg3[%dma_start3A_592, %dma_start3A_593] : memref<1000000x64xf32, #tpu.memory_space<hbm>> -> memref<1000000x64xf32, #tpu.memory_space<hbm>>
      tpu.enqueue_indirect_dma source(%dma_start3A_594 : memref<1000000x64xf32, #tpu.memory_space<hbm>>) target(%dma_start3A_588 : memref<40x64xf32, #tpu.memory_space<vmem>>) offsets(%dma_start3A_591 : memref<40xi32, #tpu.memory_space<vmem>>) semaphore(%arg12 : memref<!tpu.dma_semaphore, #tpu.memory_space<semaphore_mem>>)
      %dma_start3A_595 = arith.constant 120 : i32
      %dma_start3A_596 = arith.constant 0 : i32
      %dma_start3A_597 = tpu.memref_slice %arg9[%dma_start3A_595, %dma_start3A_596] : memref<200x64xf32, #tpu.memory_space<vmem>> -> memref<40x64xf32, #tpu.memory_space<vmem>>
      %dma_start3A_598 = arith.constant 120 : i32
      %dma_start3A_599 = tpu.memref_slice %arg6[%add3A_567, %dma_start3A_598] : memref<128x200xi32, #tpu.memory_space<vmem>> -> memref<1x40xi32, #tpu.memory_space<vmem>>
      %dma_start3A_600 = tpu.memref_squeeze %dma_start3A_599 : memref<1x40xi32, #tpu.memory_space<vmem>> -> memref<40xi32, #tpu.memory_space<vmem>>
      %dma_start3A_601 = arith.constant 0 : i32
      %dma_start3A_602 = arith.constant 0 : i32
      %dma_start3A_603 = tpu.memref_slice %arg3[%dma_start3A_601, %dma_start3A_602] : memref<1000000x64xf32, #tpu.memory_space<hbm>> -> memref<1000000x64xf32, #tpu.memory_space<hbm>>
      tpu.enqueue_indirect_dma source(%dma_start3A_603 : memref<1000000x64xf32, #tpu.memory_space<hbm>>) target(%dma_start3A_597 : memref<40x64xf32, #tpu.memory_space<vmem>>) offsets(%dma_start3A_600 : memref<40xi32, #tpu.memory_space<vmem>>) semaphore(%arg12 : memref<!tpu.dma_semaphore, #tpu.memory_space<semaphore_mem>>)
      %dma_start3A_604 = arith.constant 160 : i32
      %dma_start3A_605 = arith.constant 0 : i32
      %dma_start3A_606 = tpu.memref_slice %arg9[%dma_start3A_604, %dma_start3A_605] : memref<200x64xf32, #tpu.memory_space<vmem>> -> memref<40x64xf32, #tpu.memory_space<vmem>>
      %dma_start3A_607 = arith.constant 160 : i32
      %dma_start3A_608 = tpu.memref_slice %arg6[%add3A_567, %dma_start3A_607] : memref<128x200xi32, #tpu.memory_space<vmem>> -> memref<1x40xi32, #tpu.memory_space<vmem>>
      %dma_start3A_609 = tpu.memref_squeeze %dma_start3A_608 : memref<1x40xi32, #tpu.memory_space<vmem>> -> memref<40xi32, #tpu.memory_space<vmem>>
      %dma_start3A_610 = arith.constant 0 : i32
      %dma_start3A_611 = arith.constant 0 : i32
      %dma_start3A_612 = tpu.memref_slice %arg3[%dma_start3A_610, %dma_start3A_611] : memref<1000000x64xf32, #tpu.memory_space<hbm>> -> memref<1000000x64xf32, #tpu.memory_space<hbm>>
      tpu.enqueue_indirect_dma source(%dma_start3A_612 : memref<1000000x64xf32, #tpu.memory_space<hbm>>) target(%dma_start3A_606 : memref<40x64xf32, #tpu.memory_space<vmem>>) offsets(%dma_start3A_609 : memref<40xi32, #tpu.memory_space<vmem>>) semaphore(%arg12 : memref<!tpu.dma_semaphore, #tpu.memory_space<semaphore_mem>>)
    }
    %scan3A_106 = arith.constant 42 : i32
    %dma_wait3A = arith.constant 0 : i32
    %dma_wait3A_107 = arith.constant 0 : i32
    %dma_wait3A_108 = arith.constant 0 : i32
    %dma_wait3A_109 = tpu.memref_slice %arg8[%dma_wait3A_107, %dma_wait3A_108] : memref<200x64xf32, #tpu.memory_space<vmem>> -> memref<40x64xf32, #tpu.memory_space<vmem>>
    %dma_wait3A_110 = arith.constant 0 : i32
    %dma_wait3A_111 = tpu.memref_slice %arg6[%dma_wait3A, %dma_wait3A_110] : memref<128x200xi32, #tpu.memory_space<vmem>> -> memref<1x40xi32, #tpu.memory_space<vmem>>
    %dma_wait3A_112 = tpu.memref_squeeze %dma_wait3A_111 : memref<1x40xi32, #tpu.memory_space<vmem>> -> memref<40xi32, #tpu.memory_space<vmem>>
    %dma_wait3A_113 = arith.constant 0 : i32
    %dma_wait3A_114 = arith.constant 0 : i32
    %dma_wait3A_115 = tpu.memref_slice %arg3[%dma_wait3A_113, %dma_wait3A_114] : memref<1000000x64xf32, #tpu.memory_space<hbm>> -> memref<1000000x64xf32, #tpu.memory_space<hbm>>
    tpu.wait_indirect_dma semaphore(%arg11 : memref<!tpu.dma_semaphore, #tpu.memory_space<semaphore_mem>>) src(%dma_wait3A_115 : memref<1000000x64xf32, #tpu.memory_space<hbm>>) dst(%dma_wait3A_109 : memref<40x64xf32, #tpu.memory_space<vmem>>)
    %dma_wait3A_116 = arith.constant 0 : i32
    %dma_wait3A_117 = arith.constant 40 : i32
    %dma_wait3A_118 = arith.constant 0 : i32
    %dma_wait3A_119 = tpu.memref_slice %arg8[%dma_wait3A_117, %dma_wait3A_118] : memref<200x64xf32, #tpu.memory_space<vmem>> -> memref<40x64xf32, #tpu.memory_space<vmem>>
    %dma_wait3A_120 = arith.constant 0 : i32
    %dma_wait3A_121 = tpu.memref_slice %arg6[%dma_wait3A_116, %dma_wait3A_120] : memref<128x200xi32, #tpu.memory_space<vmem>> -> memref<1x40xi32, #tpu.memory_space<vmem>>
    %dma_wait3A_122 = tpu.memref_squeeze %dma_wait3A_121 : memref<1x40xi32, #tpu.memory_space<vmem>> -> memref<40xi32, #tpu.memory_space<vmem>>
    %dma_wait3A_123 = arith.constant 0 : i32
    %dma_wait3A_124 = arith.constant 0 : i32
    %dma_wait3A_125 = tpu.memref_slice %arg3[%dma_wait3A_123, %dma_wait3A_124] : memref<1000000x64xf32, #tpu.memory_space<hbm>> -> memref<1000000x64xf32, #tpu.memory_space<hbm>>
    tpu.wait_indirect_dma semaphore(%arg11 : memref<!tpu.dma_semaphore, #tpu.memory_space<semaphore_mem>>) src(%dma_wait3A_125 : memref<1000000x64xf32, #tpu.memory_space<hbm>>) dst(%dma_wait3A_119 : memref<40x64xf32, #tpu.memory_space<vmem>>)
    %dma_wait3A_126 = arith.constant 0 : i32
    %dma_wait3A_127 = arith.constant 80 : i32
    %dma_wait3A_128 = arith.constant 0 : i32
    %dma_wait3A_129 = tpu.memref_slice %arg8[%dma_wait3A_127, %dma_wait3A_128] : memref<200x64xf32, #tpu.memory_space<vmem>> -> memref<40x64xf32, #tpu.memory_space<vmem>>
    %dma_wait3A_130 = arith.constant 0 : i32
    %dma_wait3A_131 = tpu.memref_slice %arg6[%dma_wait3A_126, %dma_wait3A_130] : memref<128x200xi32, #tpu.memory_space<vmem>> -> memref<1x40xi32, #tpu.memory_space<vmem>>
    %dma_wait3A_132 = tpu.memref_squeeze %dma_wait3A_131 : memref<1x40xi32, #tpu.memory_space<vmem>> -> memref<40xi32, #tpu.memory_space<vmem>>
    %dma_wait3A_133 = arith.constant 0 : i32
    %dma_wait3A_134 = arith.constant 0 : i32
    %dma_wait3A_135 = tpu.memref_slice %arg3[%dma_wait3A_133, %dma_wait3A_134] : memref<1000000x64xf32, #tpu.memory_space<hbm>> -> memref<1000000x64xf32, #tpu.memory_space<hbm>>
    tpu.wait_indirect_dma semaphore(%arg11 : memref<!tpu.dma_semaphore, #tpu.memory_space<semaphore_mem>>) src(%dma_wait3A_135 : memref<1000000x64xf32, #tpu.memory_space<hbm>>) dst(%dma_wait3A_129 : memref<40x64xf32, #tpu.memory_space<vmem>>)
    %dma_wait3A_136 = arith.constant 0 : i32
    %dma_wait3A_137 = arith.constant 120 : i32
    %dma_wait3A_138 = arith.constant 0 : i32
    %dma_wait3A_139 = tpu.memref_slice %arg8[%dma_wait3A_137, %dma_wait3A_138] : memref<200x64xf32, #tpu.memory_space<vmem>> -> memref<40x64xf32, #tpu.memory_space<vmem>>
    %dma_wait3A_140 = arith.constant 0 : i32
    %dma_wait3A_141 = tpu.memref_slice %arg6[%dma_wait3A_136, %dma_wait3A_140] : memref<128x200xi32, #tpu.memory_space<vmem>> -> memref<1x40xi32, #tpu.memory_space<vmem>>
    %dma_wait3A_142 = tpu.memref_squeeze %dma_wait3A_141 : memref<1x40xi32, #tpu.memory_space<vmem>> -> memref<40xi32, #tpu.memory_space<vmem>>
    %dma_wait3A_143 = arith.constant 0 : i32
    %dma_wait3A_144 = arith.constant 0 : i32
    %dma_wait3A_145 = tpu.memref_slice %arg3[%dma_wait3A_143, %dma_wait3A_144] : memref<1000000x64xf32, #tpu.memory_space<hbm>> -> memref<1000000x64xf32, #tpu.memory_space<hbm>>
    tpu.wait_indirect_dma semaphore(%arg11 : memref<!tpu.dma_semaphore, #tpu.memory_space<semaphore_mem>>) src(%dma_wait3A_145 : memref<1000000x64xf32, #tpu.memory_space<hbm>>) dst(%dma_wait3A_139 : memref<40x64xf32, #tpu.memory_space<vmem>>)
    %dma_wait3A_146 = arith.constant 0 : i32
    %dma_wait3A_147 = arith.constant 160 : i32
    %dma_wait3A_148 = arith.constant 0 : i32
    %dma_wait3A_149 = tpu.memref_slice %arg8[%dma_wait3A_147, %dma_wait3A_148] : memref<200x64xf32, #tpu.memory_space<vmem>> -> memref<40x64xf32, #tpu.memory_space<vmem>>
    %dma_wait3A_150 = arith.constant 0 : i32
    %dma_wait3A_151 = tpu.memref_slice %arg6[%dma_wait3A_146, %dma_wait3A_150] : memref<128x200xi32, #tpu.memory_space<vmem>> -> memref<1x40xi32, #tpu.memory_space<vmem>>
    %dma_wait3A_152 = tpu.memref_squeeze %dma_wait3A_151 : memref<1x40xi32, #tpu.memory_space<vmem>> -> memref<40xi32, #tpu.memory_space<vmem>>
    %dma_wait3A_153 = arith.constant 0 : i32
    %dma_wait3A_154 = arith.constant 0 : i32
    %dma_wait3A_155 = tpu.memref_slice %arg3[%dma_wait3A_153, %dma_wait3A_154] : memref<1000000x64xf32, #tpu.memory_space<hbm>> -> memref<1000000x64xf32, #tpu.memory_space<hbm>>
    tpu.wait_indirect_dma semaphore(%arg11 : memref<!tpu.dma_semaphore, #tpu.memory_space<semaphore_mem>>) src(%dma_wait3A_155 : memref<1000000x64xf32, #tpu.memory_space<hbm>>) dst(%dma_wait3A_149 : memref<40x64xf32, #tpu.memory_space<vmem>>)
    %parallel_loop3A = arith.constant 0 : i32
    %parallel_loop3A_156 = arith.constant 200 : i32
    %parallel_loop3A_157 = arith.constant 1 : i32
    scf.for %parallel_loop3A_255 = %parallel_loop3A to %parallel_loop3A_156 step %parallel_loop3A_157  : i32 {
      %parallel_loop3A_256 = arith.index_cast %parallel_loop3A_255 : i32 to index
      %parallel_loop3A_257 = arith.constant 0 : index
      %parallel_loop3A_258 = tpu.vector_load %arg8[%parallel_loop3A_256, %parallel_loop3A_257] {strides = array<i32>} : memref<200x64xf32, #tpu.memory_space<vmem>>, vector<1x16xf32>,
      %parallel_loop3A_259 = vector.shape_cast %parallel_loop3A_258 : vector<1x16xf32> to vector<16xf32>
      %parallel_loop3A_260 = arith.index_cast %parallel_loop3A_255 : i32 to index
      %parallel_loop3A_261 = arith.constant 0 : index
      %parallel_loop3A_262 = tpu.vector_load %arg7[%parallel_loop3A_260, %parallel_loop3A_261] {strides = array<i32>} : memref<200x64xf32, #tpu.memory_space<vmem>>, vector<1x16xf32>,
      %parallel_loop3A_263 = vector.shape_cast %parallel_loop3A_262 : vector<1x16xf32> to vector<16xf32>
      %parallel_loop3A_264 = arith.addf %parallel_loop3A_259, %parallel_loop3A_263 : vector<16xf32>
      %parallel_loop3A_265 = arith.index_cast %parallel_loop3A_255 : i32 to index
      %parallel_loop3A_266 = arith.constant 0 : index
      %parallel_loop3A_267 = tpu.vector_load %arg8[%parallel_loop3A_265, %parallel_loop3A_266] {strides = array<i32>} : memref<200x64xf32, #tpu.memory_space<vmem>>, vector<1x16xf32>,
      %parallel_loop3A_268 = vector.shape_cast %parallel_loop3A_267 : vector<1x16xf32> to vector<16xf32>
      %parallel_loop3A_269 = vector.shape_cast %parallel_loop3A_264 : vector<16xf32> to vector<1x16xf32>
      tpu.vector_store %arg8[%parallel_loop3A_265, %parallel_loop3A_266], %parallel_loop3A_269 {strides = array<i32>} : memref<200x64xf32, #tpu.memory_space<vmem>>, vector<1x16xf32>,
      %parallel_loop3A_270 = arith.index_cast %parallel_loop3A_255 : i32 to index
      %parallel_loop3A_271 = arith.constant 16 : index
      %parallel_loop3A_272 = tpu.vector_load %arg8[%parallel_loop3A_270, %parallel_loop3A_271] {strides = array<i32>} : memref<200x64xf32, #tpu.memory_space<vmem>>, vector<1x16xf32>,
      %parallel_loop3A_273 = vector.shape_cast %parallel_loop3A_272 : vector<1x16xf32> to vector<16xf32>
      %parallel_loop3A_274 = arith.index_cast %parallel_loop3A_255 : i32 to index
      %parallel_loop3A_275 = arith.constant 16 : index
      %parallel_loop3A_276 = tpu.vector_load %arg7[%parallel_loop3A_274, %parallel_loop3A_275] {strides = array<i32>} : memref<200x64xf32, #tpu.memory_space<vmem>>, vector<1x16xf32>,
      %parallel_loop3A_277 = vector.shape_cast %parallel_loop3A_276 : vector<1x16xf32> to vector<16xf32>
      %parallel_loop3A_278 = arith.addf %parallel_loop3A_273, %parallel_loop3A_277 : vector<16xf32>
      %parallel_loop3A_279 = arith.index_cast %parallel_loop3A_255 : i32 to index
      %parallel_loop3A_280 = arith.constant 16 : index
      %parallel_loop3A_281 = tpu.vector_load %arg8[%parallel_loop3A_279, %parallel_loop3A_280] {strides = array<i32>} : memref<200x64xf32, #tpu.memory_space<vmem>>, vector<1x16xf32>,
      %parallel_loop3A_282 = vector.shape_cast %parallel_loop3A_281 : vector<1x16xf32> to vector<16xf32>
      %parallel_loop3A_283 = vector.shape_cast %parallel_loop3A_278 : vector<16xf32> to vector<1x16xf32>
      tpu.vector_store %arg8[%parallel_loop3A_279, %parallel_loop3A_280], %parallel_loop3A_283 {strides = array<i32>} : memref<200x64xf32, #tpu.memory_space<vmem>>, vector<1x16xf32>,
      %parallel_loop3A_284 = arith.index_cast %parallel_loop3A_255 : i32 to index
      %parallel_loop3A_285 = arith.constant 32 : index
      %parallel_loop3A_286 = tpu.vector_load %arg8[%parallel_loop3A_284, %parallel_loop3A_285] {strides = array<i32>} : memref<200x64xf32, #tpu.memory_space<vmem>>, vector<1x16xf32>,
      %parallel_loop3A_287 = vector.shape_cast %parallel_loop3A_286 : vector<1x16xf32> to vector<16xf32>
      %parallel_loop3A_288 = arith.index_cast %parallel_loop3A_255 : i32 to index
      %parallel_loop3A_289 = arith.constant 32 : index
      %parallel_loop3A_290 = tpu.vector_load %arg7[%parallel_loop3A_288, %parallel_loop3A_289] {strides = array<i32>} : memref<200x64xf32, #tpu.memory_space<vmem>>, vector<1x16xf32>,
      %parallel_loop3A_291 = vector.shape_cast %parallel_loop3A_290 : vector<1x16xf32> to vector<16xf32>
      %parallel_loop3A_292 = arith.addf %parallel_loop3A_287, %parallel_loop3A_291 : vector<16xf32>
      %parallel_loop3A_293 = arith.index_cast %parallel_loop3A_255 : i32 to index
      %parallel_loop3A_294 = arith.constant 32 : index
      %parallel_loop3A_295 = tpu.vector_load %arg8[%parallel_loop3A_293, %parallel_loop3A_294] {strides = array<i32>} : memref<200x64xf32, #tpu.memory_space<vmem>>, vector<1x16xf32>,
      %parallel_loop3A_296 = vector.shape_cast %parallel_loop3A_295 : vector<1x16xf32> to vector<16xf32>
      %parallel_loop3A_297 = vector.shape_cast %parallel_loop3A_292 : vector<16xf32> to vector<1x16xf32>
      tpu.vector_store %arg8[%parallel_loop3A_293, %parallel_loop3A_294], %parallel_loop3A_297 {strides = array<i32>} : memref<200x64xf32, #tpu.memory_space<vmem>>, vector<1x16xf32>,
      %parallel_loop3A_298 = arith.index_cast %parallel_loop3A_255 : i32 to index
      %parallel_loop3A_299 = arith.constant 48 : index
      %parallel_loop3A_300 = tpu.vector_load %arg8[%parallel_loop3A_298, %parallel_loop3A_299] {strides = array<i32>} : memref<200x64xf32, #tpu.memory_space<vmem>>, vector<1x16xf32>,
      %parallel_loop3A_301 = vector.shape_cast %parallel_loop3A_300 : vector<1x16xf32> to vector<16xf32>
      %parallel_loop3A_302 = arith.index_cast %parallel_loop3A_255 : i32 to index
      %parallel_loop3A_303 = arith.constant 48 : index
      %parallel_loop3A_304 = tpu.vector_load %arg7[%parallel_loop3A_302, %parallel_loop3A_303] {strides = array<i32>} : memref<200x64xf32, #tpu.memory_space<vmem>>, vector<1x16xf32>,
      %parallel_loop3A_305 = vector.shape_cast %parallel_loop3A_304 : vector<1x16xf32> to vector<16xf32>
      %parallel_loop3A_306 = arith.addf %parallel_loop3A_301, %parallel_loop3A_305 : vector<16xf32>
      %parallel_loop3A_307 = arith.index_cast %parallel_loop3A_255 : i32 to index
      %parallel_loop3A_308 = arith.constant 48 : index
      %parallel_loop3A_309 = tpu.vector_load %arg8[%parallel_loop3A_307, %parallel_loop3A_308] {strides = array<i32>} : memref<200x64xf32, #tpu.memory_space<vmem>>, vector<1x16xf32>,
      %parallel_loop3A_310 = vector.shape_cast %parallel_loop3A_309 : vector<1x16xf32> to vector<16xf32>
      %parallel_loop3A_311 = vector.shape_cast %parallel_loop3A_306 : vector<16xf32> to vector<1x16xf32>
      tpu.vector_store %arg8[%parallel_loop3A_307, %parallel_loop3A_308], %parallel_loop3A_311 {strides = array<i32>} : memref<200x64xf32, #tpu.memory_space<vmem>>, vector<1x16xf32>,
    } {sc.loop_unroll_factor = 4 : i64, sc.parallel_access}
    %add3A_158 = arith.constant 126 : i32
    %add3A_159 = arith.addi %mul3A_2, %add3A_158 : i32
    %dma_start3A_160 = arith.constant 0 : i32
    %dma_start3A_161 = arith.constant 0 : i32
    %dma_start3A_162 = tpu.memref_slice %arg5[%add3A_159, %dma_start3A_160, %dma_start3A_161] : memref<4096x200x64xf32, #tpu.memory_space<hbm>> -> memref<1x200x64xf32, #tpu.memory_space<hbm>>
    %dma_start3A_163 = tpu.memref_squeeze %dma_start3A_162 : memref<1x200x64xf32, #tpu.memory_space<hbm>> -> memref<200x64xf32, #tpu.memory_space<hbm>>
    %dma_start3A_164 = arith.constant 0 : i32
    %dma_start3A_165 = arith.constant 0 : i32
    %dma_start3A_166 = tpu.memref_slice %arg5[%add3A_159, %dma_start3A_164, %dma_start3A_165] : memref<4096x200x64xf32, #tpu.memory_space<hbm>> -> memref<1x200x64xf32, #tpu.memory_space<hbm>>
    %dma_start3A_167 = tpu.memref_squeeze %dma_start3A_166 : memref<1x200x64xf32, #tpu.memory_space<hbm>> -> memref<200x64xf32, #tpu.memory_space<hbm>>
    tpu.enqueue_dma source(%arg8 : memref<200x64xf32, #tpu.memory_space<vmem>>) target(%dma_start3A_167 : memref<200x64xf32, #tpu.memory_space<hbm>>) target_semaphore(%arg14 : memref<!tpu.dma_semaphore, #tpu.memory_space<semaphore_mem>>)
    %dma_wait3A_168 = arith.constant 0 : i32
    %dma_wait3A_169 = arith.constant 0 : i32
    %dma_wait3A_170 = arith.constant 0 : i32
    %dma_wait3A_171 = tpu.memref_slice %arg9[%dma_wait3A_169, %dma_wait3A_170] : memref<200x64xf32, #tpu.memory_space<vmem>> -> memref<40x64xf32, #tpu.memory_space<vmem>>
    %dma_wait3A_172 = arith.constant 0 : i32
    %dma_wait3A_173 = tpu.memref_slice %arg6[%dma_wait3A_168, %dma_wait3A_172] : memref<128x200xi32, #tpu.memory_space<vmem>> -> memref<1x40xi32, #tpu.memory_space<vmem>>
    %dma_wait3A_174 = tpu.memref_squeeze %dma_wait3A_173 : memref<1x40xi32, #tpu.memory_space<vmem>> -> memref<40xi32, #tpu.memory_space<vmem>>
    %dma_wait3A_175 = arith.constant 0 : i32
    %dma_wait3A_176 = arith.constant 0 : i32
    %dma_wait3A_177 = tpu.memref_slice %arg3[%dma_wait3A_175, %dma_wait3A_176] : memref<1000000x64xf32, #tpu.memory_space<hbm>> -> memref<1000000x64xf32, #tpu.memory_space<hbm>>
    tpu.wait_indirect_dma semaphore(%arg12 : memref<!tpu.dma_semaphore, #tpu.memory_space<semaphore_mem>>) src(%dma_wait3A_177 : memref<1000000x64xf32, #tpu.memory_space<hbm>>) dst(%dma_wait3A_171 : memref<40x64xf32, #tpu.memory_space<vmem>>)
    %dma_wait3A_178 = arith.constant 0 : i32
    %dma_wait3A_179 = arith.constant 40 : i32
    %dma_wait3A_180 = arith.constant 0 : i32
    %dma_wait3A_181 = tpu.memref_slice %arg9[%dma_wait3A_179, %dma_wait3A_180] : memref<200x64xf32, #tpu.memory_space<vmem>> -> memref<40x64xf32, #tpu.memory_space<vmem>>
    %dma_wait3A_182 = arith.constant 0 : i32
    %dma_wait3A_183 = tpu.memref_slice %arg6[%dma_wait3A_178, %dma_wait3A_182] : memref<128x200xi32, #tpu.memory_space<vmem>> -> memref<1x40xi32, #tpu.memory_space<vmem>>
    %dma_wait3A_184 = tpu.memref_squeeze %dma_wait3A_183 : memref<1x40xi32, #tpu.memory_space<vmem>> -> memref<40xi32, #tpu.memory_space<vmem>>
    %dma_wait3A_185 = arith.constant 0 : i32
    %dma_wait3A_186 = arith.constant 0 : i32
    %dma_wait3A_187 = tpu.memref_slice %arg3[%dma_wait3A_185, %dma_wait3A_186] : memref<1000000x64xf32, #tpu.memory_space<hbm>> -> memref<1000000x64xf32, #tpu.memory_space<hbm>>
    tpu.wait_indirect_dma semaphore(%arg12 : memref<!tpu.dma_semaphore, #tpu.memory_space<semaphore_mem>>) src(%dma_wait3A_187 : memref<1000000x64xf32, #tpu.memory_space<hbm>>) dst(%dma_wait3A_181 : memref<40x64xf32, #tpu.memory_space<vmem>>)
    %dma_wait3A_188 = arith.constant 0 : i32
    %dma_wait3A_189 = arith.constant 80 : i32
    %dma_wait3A_190 = arith.constant 0 : i32
    %dma_wait3A_191 = tpu.memref_slice %arg9[%dma_wait3A_189, %dma_wait3A_190] : memref<200x64xf32, #tpu.memory_space<vmem>> -> memref<40x64xf32, #tpu.memory_space<vmem>>
    %dma_wait3A_192 = arith.constant 0 : i32
    %dma_wait3A_193 = tpu.memref_slice %arg6[%dma_wait3A_188, %dma_wait3A_192] : memref<128x200xi32, #tpu.memory_space<vmem>> -> memref<1x40xi32, #tpu.memory_space<vmem>>
    %dma_wait3A_194 = tpu.memref_squeeze %dma_wait3A_193 : memref<1x40xi32, #tpu.memory_space<vmem>> -> memref<40xi32, #tpu.memory_space<vmem>>
    %dma_wait3A_195 = arith.constant 0 : i32
    %dma_wait3A_196 = arith.constant 0 : i32
    %dma_wait3A_197 = tpu.memref_slice %arg3[%dma_wait3A_195, %dma_wait3A_196] : memref<1000000x64xf32, #tpu.memory_space<hbm>> -> memref<1000000x64xf32, #tpu.memory_space<hbm>>
    tpu.wait_indirect_dma semaphore(%arg12 : memref<!tpu.dma_semaphore, #tpu.memory_space<semaphore_mem>>) src(%dma_wait3A_197 : memref<1000000x64xf32, #tpu.memory_space<hbm>>) dst(%dma_wait3A_191 : memref<40x64xf32, #tpu.memory_space<vmem>>)
    %dma_wait3A_198 = arith.constant 0 : i32
    %dma_wait3A_199 = arith.constant 120 : i32
    %dma_wait3A_200 = arith.constant 0 : i32
    %dma_wait3A_201 = tpu.memref_slice %arg9[%dma_wait3A_199, %dma_wait3A_200] : memref<200x64xf32, #tpu.memory_space<vmem>> -> memref<40x64xf32, #tpu.memory_space<vmem>>
    %dma_wait3A_202 = arith.constant 0 : i32
    %dma_wait3A_203 = tpu.memref_slice %arg6[%dma_wait3A_198, %dma_wait3A_202] : memref<128x200xi32, #tpu.memory_space<vmem>> -> memref<1x40xi32, #tpu.memory_space<vmem>>
    %dma_wait3A_204 = tpu.memref_squeeze %dma_wait3A_203 : memref<1x40xi32, #tpu.memory_space<vmem>> -> memref<40xi32, #tpu.memory_space<vmem>>
    %dma_wait3A_205 = arith.constant 0 : i32
    %dma_wait3A_206 = arith.constant 0 : i32
    %dma_wait3A_207 = tpu.memref_slice %arg3[%dma_wait3A_205, %dma_wait3A_206] : memref<1000000x64xf32, #tpu.memory_space<hbm>> -> memref<1000000x64xf32, #tpu.memory_space<hbm>>
    tpu.wait_indirect_dma semaphore(%arg12 : memref<!tpu.dma_semaphore, #tpu.memory_space<semaphore_mem>>) src(%dma_wait3A_207 : memref<1000000x64xf32, #tpu.memory_space<hbm>>) dst(%dma_wait3A_201 : memref<40x64xf32, #tpu.memory_space<vmem>>)
    %dma_wait3A_208 = arith.constant 0 : i32
    %dma_wait3A_209 = arith.constant 160 : i32
    %dma_wait3A_210 = arith.constant 0 : i32
    %dma_wait3A_211 = tpu.memref_slice %arg9[%dma_wait3A_209, %dma_wait3A_210] : memref<200x64xf32, #tpu.memory_space<vmem>> -> memref<40x64xf32, #tpu.memory_space<vmem>>
    %dma_wait3A_212 = arith.constant 0 : i32
    %dma_wait3A_213 = tpu.memref_slice %arg6[%dma_wait3A_208, %dma_wait3A_212] : memref<128x200xi32, #tpu.memory_space<vmem>> -> memref<1x40xi32, #tpu.memory_space<vmem>>
    %dma_wait3A_214 = tpu.memref_squeeze %dma_wait3A_213 : memref<1x40xi32, #tpu.memory_space<vmem>> -> memref<40xi32, #tpu.memory_space<vmem>>
    %dma_wait3A_215 = arith.constant 0 : i32
    %dma_wait3A_216 = arith.constant 0 : i32
    %dma_wait3A_217 = tpu.memref_slice %arg3[%dma_wait3A_215, %dma_wait3A_216] : memref<1000000x64xf32, #tpu.memory_space<hbm>> -> memref<1000000x64xf32, #tpu.memory_space<hbm>>
    tpu.wait_indirect_dma semaphore(%arg12 : memref<!tpu.dma_semaphore, #tpu.memory_space<semaphore_mem>>) src(%dma_wait3A_217 : memref<1000000x64xf32, #tpu.memory_space<hbm>>) dst(%dma_wait3A_211 : memref<40x64xf32, #tpu.memory_space<vmem>>)
    %parallel_loop3A_218 = arith.constant 0 : i32
    %parallel_loop3A_219 = arith.constant 200 : i32
    %parallel_loop3A_220 = arith.constant 1 : i32
    scf.for %parallel_loop3A_255 = %parallel_loop3A_218 to %parallel_loop3A_219 step %parallel_loop3A_220  : i32 {
      %parallel_loop3A_256 = arith.index_cast %parallel_loop3A_255 : i32 to index
      %parallel_loop3A_257 = arith.constant 0 : index
      %parallel_loop3A_258 = tpu.vector_load %arg9[%parallel_loop3A_256, %parallel_loop3A_257] {strides = array<i32>} : memref<200x64xf32, #tpu.memory_space<vmem>>, vector<1x16xf32>,
      %parallel_loop3A_259 = vector.shape_cast %parallel_loop3A_258 : vector<1x16xf32> to vector<16xf32>
      %parallel_loop3A_260 = arith.index_cast %parallel_loop3A_255 : i32 to index
      %parallel_loop3A_261 = arith.constant 0 : index
      %parallel_loop3A_262 = tpu.vector_load %arg7[%parallel_loop3A_260, %parallel_loop3A_261] {strides = array<i32>} : memref<200x64xf32, #tpu.memory_space<vmem>>, vector<1x16xf32>,
      %parallel_loop3A_263 = vector.shape_cast %parallel_loop3A_262 : vector<1x16xf32> to vector<16xf32>
      %parallel_loop3A_264 = arith.addf %parallel_loop3A_259, %parallel_loop3A_263 : vector<16xf32>
      %parallel_loop3A_265 = arith.index_cast %parallel_loop3A_255 : i32 to index
      %parallel_loop3A_266 = arith.constant 0 : index
      %parallel_loop3A_267 = tpu.vector_load %arg9[%parallel_loop3A_265, %parallel_loop3A_266] {strides = array<i32>} : memref<200x64xf32, #tpu.memory_space<vmem>>, vector<1x16xf32>,
      %parallel_loop3A_268 = vector.shape_cast %parallel_loop3A_267 : vector<1x16xf32> to vector<16xf32>
      %parallel_loop3A_269 = vector.shape_cast %parallel_loop3A_264 : vector<16xf32> to vector<1x16xf32>
      tpu.vector_store %arg9[%parallel_loop3A_265, %parallel_loop3A_266], %parallel_loop3A_269 {strides = array<i32>} : memref<200x64xf32, #tpu.memory_space<vmem>>, vector<1x16xf32>,
      %parallel_loop3A_270 = arith.index_cast %parallel_loop3A_255 : i32 to index
      %parallel_loop3A_271 = arith.constant 16 : index
      %parallel_loop3A_272 = tpu.vector_load %arg9[%parallel_loop3A_270, %parallel_loop3A_271] {strides = array<i32>} : memref<200x64xf32, #tpu.memory_space<vmem>>, vector<1x16xf32>,
      %parallel_loop3A_273 = vector.shape_cast %parallel_loop3A_272 : vector<1x16xf32> to vector<16xf32>
      %parallel_loop3A_274 = arith.index_cast %parallel_loop3A_255 : i32 to index
      %parallel_loop3A_275 = arith.constant 16 : index
      %parallel_loop3A_276 = tpu.vector_load %arg7[%parallel_loop3A_274, %parallel_loop3A_275] {strides = array<i32>} : memref<200x64xf32, #tpu.memory_space<vmem>>, vector<1x16xf32>,
      %parallel_loop3A_277 = vector.shape_cast %parallel_loop3A_276 : vector<1x16xf32> to vector<16xf32>
      %parallel_loop3A_278 = arith.addf %parallel_loop3A_273, %parallel_loop3A_277 : vector<16xf32>
      %parallel_loop3A_279 = arith.index_cast %parallel_loop3A_255 : i32 to index
      %parallel_loop3A_280 = arith.constant 16 : index
      %parallel_loop3A_281 = tpu.vector_load %arg9[%parallel_loop3A_279, %parallel_loop3A_280] {strides = array<i32>} : memref<200x64xf32, #tpu.memory_space<vmem>>, vector<1x16xf32>,
      %parallel_loop3A_282 = vector.shape_cast %parallel_loop3A_281 : vector<1x16xf32> to vector<16xf32>
      %parallel_loop3A_283 = vector.shape_cast %parallel_loop3A_278 : vector<16xf32> to vector<1x16xf32>
      tpu.vector_store %arg9[%parallel_loop3A_279, %parallel_loop3A_280], %parallel_loop3A_283 {strides = array<i32>} : memref<200x64xf32, #tpu.memory_space<vmem>>, vector<1x16xf32>,
      %parallel_loop3A_284 = arith.index_cast %parallel_loop3A_255 : i32 to index
      %parallel_loop3A_285 = arith.constant 32 : index
      %parallel_loop3A_286 = tpu.vector_load %arg9[%parallel_loop3A_284, %parallel_loop3A_285] {strides = array<i32>} : memref<200x64xf32, #tpu.memory_space<vmem>>, vector<1x16xf32>,
      %parallel_loop3A_287 = vector.shape_cast %parallel_loop3A_286 : vector<1x16xf32> to vector<16xf32>
      %parallel_loop3A_288 = arith.index_cast %parallel_loop3A_255 : i32 to index
      %parallel_loop3A_289 = arith.constant 32 : index
      %parallel_loop3A_290 = tpu.vector_load %arg7[%parallel_loop3A_288, %parallel_loop3A_289] {strides = array<i32>} : memref<200x64xf32, #tpu.memory_space<vmem>>, vector<1x16xf32>,
      %parallel_loop3A_291 = vector.shape_cast %parallel_loop3A_290 : vector<1x16xf32> to vector<16xf32>
      %parallel_loop3A_292 = arith.addf %parallel_loop3A_287, %parallel_loop3A_291 : vector<16xf32>
      %parallel_loop3A_293 = arith.index_cast %parallel_loop3A_255 : i32 to index
      %parallel_loop3A_294 = arith.constant 32 : index
      %parallel_loop3A_295 = tpu.vector_load %arg9[%parallel_loop3A_293, %parallel_loop3A_294] {strides = array<i32>} : memref<200x64xf32, #tpu.memory_space<vmem>>, vector<1x16xf32>,
      %parallel_loop3A_296 = vector.shape_cast %parallel_loop3A_295 : vector<1x16xf32> to vector<16xf32>
      %parallel_loop3A_297 = vector.shape_cast %parallel_loop3A_292 : vector<16xf32> to vector<1x16xf32>
      tpu.vector_store %arg9[%parallel_loop3A_293, %parallel_loop3A_294], %parallel_loop3A_297 {strides = array<i32>} : memref<200x64xf32, #tpu.memory_space<vmem>>, vector<1x16xf32>,
      %parallel_loop3A_298 = arith.index_cast %parallel_loop3A_255 : i32 to index
      %parallel_loop3A_299 = arith.constant 48 : index
      %parallel_loop3A_300 = tpu.vector_load %arg9[%parallel_loop3A_298, %parallel_loop3A_299] {strides = array<i32>} : memref<200x64xf32, #tpu.memory_space<vmem>>, vector<1x16xf32>,
      %parallel_loop3A_301 = vector.shape_cast %parallel_loop3A_300 : vector<1x16xf32> to vector<16xf32>
      %parallel_loop3A_302 = arith.index_cast %parallel_loop3A_255 : i32 to index
      %parallel_loop3A_303 = arith.constant 48 : index
      %parallel_loop3A_304 = tpu.vector_load %arg7[%parallel_loop3A_302, %parallel_loop3A_303] {strides = array<i32>} : memref<200x64xf32, #tpu.memory_space<vmem>>, vector<1x16xf32>,
      %parallel_loop3A_305 = vector.shape_cast %parallel_loop3A_304 : vector<1x16xf32> to vector<16xf32>
      %parallel_loop3A_306 = arith.addf %parallel_loop3A_301, %parallel_loop3A_305 : vector<16xf32>
      %parallel_loop3A_307 = arith.index_cast %parallel_loop3A_255 : i32 to index
      %parallel_loop3A_308 = arith.constant 48 : index
      %parallel_loop3A_309 = tpu.vector_load %arg9[%parallel_loop3A_307, %parallel_loop3A_308] {strides = array<i32>} : memref<200x64xf32, #tpu.memory_space<vmem>>, vector<1x16xf32>,
      %parallel_loop3A_310 = vector.shape_cast %parallel_loop3A_309 : vector<1x16xf32> to vector<16xf32>
      %parallel_loop3A_311 = vector.shape_cast %parallel_loop3A_306 : vector<16xf32> to vector<1x16xf32>
      tpu.vector_store %arg9[%parallel_loop3A_307, %parallel_loop3A_308], %parallel_loop3A_311 {strides = array<i32>} : memref<200x64xf32, #tpu.memory_space<vmem>>, vector<1x16xf32>,
    } {sc.loop_unroll_factor = 4 : i64, sc.parallel_access}
    %add3A_221 = arith.constant 127 : i32
    %add3A_222 = arith.addi %mul3A_2, %add3A_221 : i32
    %dma_start3A_223 = arith.constant 0 : i32
    %dma_start3A_224 = arith.constant 0 : i32
    %dma_start3A_225 = tpu.memref_slice %arg5[%add3A_222, %dma_start3A_223, %dma_start3A_224] : memref<4096x200x64xf32, #tpu.memory_space<hbm>> -> memref<1x200x64xf32, #tpu.memory_space<hbm>>
    %dma_start3A_226 = tpu.memref_squeeze %dma_start3A_225 : memref<1x200x64xf32, #tpu.memory_space<hbm>> -> memref<200x64xf32, #tpu.memory_space<hbm>>
    %dma_start3A_227 = arith.constant 0 : i32
    %dma_start3A_228 = arith.constant 0 : i32
    %dma_start3A_229 = tpu.memref_slice %arg5[%add3A_222, %dma_start3A_227, %dma_start3A_228] : memref<4096x200x64xf32, #tpu.memory_space<hbm>> -> memref<1x200x64xf32, #tpu.memory_space<hbm>>
    %dma_start3A_230 = tpu.memref_squeeze %dma_start3A_229 : memref<1x200x64xf32, #tpu.memory_space<hbm>> -> memref<200x64xf32, #tpu.memory_space<hbm>>
    tpu.enqueue_dma source(%arg9 : memref<200x64xf32, #tpu.memory_space<vmem>>) target(%dma_start3A_230 : memref<200x64xf32, #tpu.memory_space<hbm>>) target_semaphore(%arg15 : memref<!tpu.dma_semaphore, #tpu.memory_space<semaphore_mem>>)
    %dma_wait3A_231 = arith.constant 0 : i32
    %dma_wait3A_232 = arith.constant 0 : i32
    %dma_wait3A_233 = tpu.memref_slice %arg5[%mul3A_2, %dma_wait3A_231, %dma_wait3A_232] : memref<4096x200x64xf32, #tpu.memory_space<hbm>> -> memref<1x200x64xf32, #tpu.memory_space<hbm>>
    %dma_wait3A_234 = tpu.memref_squeeze %dma_wait3A_233 : memref<1x200x64xf32, #tpu.memory_space<hbm>> -> memref<200x64xf32, #tpu.memory_space<hbm>>
    %dma_wait3A_235 = arith.constant 0 : i32
    %dma_wait3A_236 = arith.constant 0 : i32
    %dma_wait3A_237 = tpu.memref_slice %arg5[%mul3A_2, %dma_wait3A_235, %dma_wait3A_236] : memref<4096x200x64xf32, #tpu.memory_space<hbm>> -> memref<1x200x64xf32, #tpu.memory_space<hbm>>
    %dma_wait3A_238 = tpu.memref_squeeze %dma_wait3A_237 : memref<1x200x64xf32, #tpu.memory_space<hbm>> -> memref<200x64xf32, #tpu.memory_space<hbm>>
    tpu.wait_dma2 semaphore(%arg14 : memref<!tpu.dma_semaphore, #tpu.memory_space<semaphore_mem>>) src(%arg8 : memref<200x64xf32, #tpu.memory_space<vmem>>) dst(%dma_wait3A_238 : memref<200x64xf32, #tpu.memory_space<hbm>>)
    %dma_wait3A_239 = arith.constant 0 : i32
    %dma_wait3A_240 = arith.constant 0 : i32
    %dma_wait3A_241 = tpu.memref_slice %arg5[%mul3A_2, %dma_wait3A_239, %dma_wait3A_240] : memref<4096x200x64xf32, #tpu.memory_space<hbm>> -> memref<1x200x64xf32, #tpu.memory_space<hbm>>
    %dma_wait3A_242 = tpu.memref_squeeze %dma_wait3A_241 : memref<1x200x64xf32, #tpu.memory_space<hbm>> -> memref<200x64xf32, #tpu.memory_space<hbm>>
    %dma_wait3A_243 = arith.constant 0 : i32
    %dma_wait3A_244 = arith.constant 0 : i32
    %dma_wait3A_245 = tpu.memref_slice %arg5[%mul3A_2, %dma_wait3A_243, %dma_wait3A_244] : memref<4096x200x64xf32, #tpu.memory_space<hbm>> -> memref<1x200x64xf32, #tpu.memory_space<hbm>>
    %dma_wait3A_246 = tpu.memref_squeeze %dma_wait3A_245 : memref<1x200x64xf32, #tpu.memory_space<hbm>> -> memref<200x64xf32, #tpu.memory_space<hbm>>
    tpu.wait_dma2 semaphore(%arg15 : memref<!tpu.dma_semaphore, #tpu.memory_space<semaphore_mem>>) src(%arg9 : memref<200x64xf32, #tpu.memory_space<vmem>>) dst(%dma_wait3A_246 : memref<200x64xf32, #tpu.memory_space<hbm>>)
    %dma_wait3A_247 = arith.constant 0 : i32
    %dma_wait3A_248 = arith.constant 0 : i32
    %dma_wait3A_249 = tpu.memref_slice %arg5[%mul3A_2, %dma_wait3A_247, %dma_wait3A_248] : memref<4096x200x64xf32, #tpu.memory_space<hbm>> -> memref<1x200x64xf32, #tpu.memory_space<hbm>>
    %dma_wait3A_250 = tpu.memref_squeeze %dma_wait3A_249 : memref<1x200x64xf32, #tpu.memory_space<hbm>> -> memref<200x64xf32, #tpu.memory_space<hbm>>
    %dma_wait3A_251 = arith.constant 0 : i32
    %dma_wait3A_252 = arith.constant 0 : i32
    %dma_wait3A_253 = tpu.memref_slice %arg5[%mul3A_2, %dma_wait3A_251, %dma_wait3A_252] : memref<4096x200x64xf32, #tpu.memory_space<hbm>> -> memref<1x200x64xf32, #tpu.memory_space<hbm>>
    %dma_wait3A_254 = tpu.memref_squeeze %dma_wait3A_253 : memref<1x200x64xf32, #tpu.memory_space<hbm>> -> memref<200x64xf32, #tpu.memory_space<hbm>>
    tpu.wait_dma2 semaphore(%arg16 : memref<!tpu.dma_semaphore, #tpu.memory_space<semaphore_mem>>) src(%arg10 : memref<200x64xf32, #tpu.memory_space<vmem>>) dst(%dma_wait3A_254 : memref<200x64xf32, #tpu.memory_space<hbm>>)
    return
  }
}

</mosaic_0001>

<sc_bundles>
// kernel: kernel.3.cloned.1.call-start
scs
__scs_entry_jumppad:
0x0: {  	(pc) =	sbr.rel $0x88, $3  }
0x1: {  	(tag) =	ssettag $0x0;
	lr =	simm.s32 $0x1  }
0x2: {  	[smem:$0x3F9E] =	sst lr;
	_ =	strace $0xD0000000  }
0x3: {  	_ = 	snop  }
0x4: {  	_ = 	snop  }
0x5: {  	_ = 	snop  }
0x6: {  	_ = 	snop  }
0x7: {  	_ = 	snop  }
__scs_overlays_trampoline_lowered:
0x8: {  	[smem:$0x3FAD] =	sst s0  }
0x9: {  	[smem:$0x3FAE] =	sst s1  }
0xa: {  	[smem:$0x3FAF] =	sst s2  }
0xb: {  	[smem:$0x3FB0] =	sst s3  }
0xc: {  	[smem:$0x3FB1] =	sst s4  }
0xd: {  	[smem:$0x3FB2] =	sst s5  }
0xe: {  	[smem:$0x3FB3] =	sst s6  }
0xf: {  	[smem:$0x3FB4] =	sst s7  }
0x10: {  	[smem:$0x3FB5] =	sst s8  }
0x11: {  	[smem:$0x3FB6] =	sst s9;
	s0 =	simm.s32 @!p0 $0x0  }
0x12: {  	s1 =	sld [smem:$0x3F9C];
	s0 =	simm.s32 @p0 $0x1  }
0x13: {  	[smem:$0x3FB7] =	sst s0;
	s0 =	simm.s32 @!p1 $0x0  }
0x14: {  	s2 =	sld [smem:$0x3F9B];
	s0 =	simm.s32 @p1 $0x1  }
0x15: {  	[smem:$0x3FB8] =	sst s0;
	s0 =	simm.s32 @!p2 $0x0  }
0x16: {  	s3 =	sld [smem:$0x3FDB];
	s0 =	simm.s32 @p2 $0x1  }
0x17: {  	s4 =	simm.s32 $0x1BF5;
	[smem:$0x3FBA] =	sst s0  }
0x18: {  	s0 =	sld [smem:$0x3F9D];
	_ =	swait.ge [sflag:s4], $0x0  }
0x19: {  	s7 =	sld [smem:$0x3F9E]  }
0x1a: {  	s8 =	sadd.s32 $0xFFFFE003, lr  }
0x1b: {  	s9 =	sadd.s32 $0xFFFFFEF7, lr;
	s5 =	simm.s32 $0xFFFFFFFF;
	p2 =	slt.u32 s8, $0xFFFFF086  }
0x1c: {  	p1 =	slt.u32 s9, $0xF7A;
	s5 =	simm.s32 @!p2 $0x0  }
0x1d: {  	s5 =	simm.s32 @p1 $0x1;
	p0 =	seq.s32 s7, s2  }
0x1e: {  	s7 =	smul.u32 @!p0 $0xF7A, s2;
	p2 =	seq.s32 @!p0 s5, $0x0  }
0x1f: {  	s9 =	smul.u32 $0xF7A, s1;
	s8 =	simm.s32 @!p0 $0x1BF5;
	p2 =	por !p2, p0  }
0x20: {  	[sflag:s8] =	ssyncset.s32 @!p0 $0xFFFFF086;
	s6 =	sadd.s32 @!p0 s3, s7;
	s7 =	simm.s32 @!p0 $0x108  }
0x21: {  	s3 =	sadd.s32 s3, s9;
	s6 =	sadd.s32 @!p0 $0x88, s6;
	s7 =	simm.s32 @p2 $0x1082  }
0x22: {  	[simem:s7], [sflag:s8] =	dma.local @!p0 [hbm:s6], $0xF7A  }
0x23: {  	s9 =	sor.u32 $0xD0000000, s2;
	s6 =	simm.s32 $0x108;
	_ =	swait.ge @!p0 [sflag:s8], $0x0  }
0x24: {  	s3 =	sadd.s32 $0x88, s3;
	s6 =	simm.s32 @!p1 $0x1082;
	[sflag:s4] =	ssyncset.s32 $0xFFFFF086  }
0x25: {  	[simem:s6], [sflag:s4] =	dma.local [hbm:s3], $0xF7A  }
0x26: {  	[smem:$0x3F9E] =	sst s1;
	(tag) =	ssettag s2;
	_ =	strace s9  }
0x27: {  	s1 =	sld [smem:$0x3FAE]  }
0x28: {  	s2 =	sld [smem:$0x3FAF]  }
0x29: {  	s4 =	sld [smem:$0x3FB1]  }
0x2a: {  	p0 =	seq.s32 s5, $0x0;
	s5 =	sld [smem:$0x3FB2]  }
0x2b: {  	s6 =	sld [smem:$0x3FB3]  }
0x2c: {  	s7 =	sld [smem:$0x3FB4]  }
0x2d: {  	s3 =	simm.s32 $0x108;
	s8 =	sld [smem:$0x3FB5]  }
0x2e: {  	s3 =	simm.s32 @!p0 $0x1082;
	s9 =	sld [smem:$0x3FB6]  }
0x2f: {  	lr =	sadd.s32 s0, s3;
	s0 =	sld [smem:$0x3FAD]  }
0x30: {  	s3 =	sld [smem:$0x3FB0]  }
0x31: {  	[smem:$0x3FB9] =	sst s10  }
0x32: {  	s10 =	sld [smem:$0x3FB7];
	_ =	sdelay $0x3  }
0x33: {  	p0 =	seq.s32 s10, $0x1;
	s10 =	sld [smem:$0x3FB9];
	_ =	sdelay $0x3  }
0x34: {  	[smem:$0x3FB9] =	sst s10  }
0x35: {  	s10 =	sld [smem:$0x3FB8];
	_ =	sdelay $0x3  }
0x36: {  	p1 =	seq.s32 s10, $0x1;
	s10 =	sld [smem:$0x3FB9];
	_ =	sdelay $0x3  }
0x37: {  	[smem:$0x3FB9] =	sst s10  }
0x38: {  	s10 =	sld [smem:$0x3FBA]  }
0x39: {  	_ = 	snop;
	(pc) =	sbr.ind lr, $3  }
0x3a: {  	_ = 	snop  }
0x3b: {  	_ = 	snop  }
0x3c: {  	p2 =	seq.s32 s10, $0x1;
	s10 =	sld [smem:$0x3FB9]  }
0x3d: {  	_ =	shalt  }
0x3e: {  	_ =	shalt  }
0x3f: {  	_ =	shalt  }
0x40: {  	_ =	shalt  }
0x41: {  	_ =	shalt  }
0x42: {  	_ =	shalt  }
0x43: {  	_ =	shalt  }
0x44: {  	_ =	shalt  }
0x45: {  	_ =	shalt  }
0x46: {  	_ =	shalt  }
0x47: {  	_ =	shalt  }
0x48: {  	_ =	shalt  }
0x49: {  	_ =	shalt  }
0x4a: {  	_ =	shalt  }
0x4b: {  	_ =	shalt  }
0x4c: {  	_ =	shalt  }
0x4d: {  	_ =	shalt  }
0x4e: {  	_ =	shalt  }
0x4f: {  	_ =	shalt  }
0x50: {  	_ =	shalt  }
0x51: {  	_ =	shalt  }
0x52: {  	_ =	shalt  }
0x53: {  	_ =	shalt  }
0x54: {  	_ =	shalt  }
0x55: {  	_ =	shalt  }
0x56: {  	_ =	shalt  }
0x57: {  	_ =	shalt  }
0x58: {  	_ =	shalt  }
0x59: {  	_ =	shalt  }
0x5a: {  	_ =	shalt  }
0x5b: {  	_ =	shalt  }
0x5c: {  	_ =	shalt  }
0x5d: {  	_ =	shalt  }
0x5e: {  	_ =	shalt  }
0x5f: {  	_ =	shalt  }
0x60: {  	_ =	shalt  }
0x61: {  	_ =	shalt  }
0x62: {  	_ =	shalt  }
0x63: {  	_ =	shalt  }
0x64: {  	_ =	shalt  }
0x65: {  	_ =	shalt  }
0x66: {  	_ =	shalt  }
0x67: {  	_ =	shalt  }
0x68: {  	_ =	shalt  }
0x69: {  	_ =	shalt  }
0x6a: {  	_ =	shalt  }
0x6b: {  	_ =	shalt  }
0x6c: {  	_ =	shalt  }
0x6d: {  	_ =	shalt  }
0x6e: {  	_ =	shalt  }
0x6f: {  	_ =	shalt  }
0x70: {  	_ =	shalt  }
0x71: {  	_ =	shalt  }
0x72: {  	_ =	shalt  }
0x73: {  	_ =	shalt  }
0x74: {  	_ =	shalt  }
0x75: {  	_ =	shalt  }
0x76: {  	_ =	shalt  }
0x77: {  	_ =	shalt  }
0x78: {  	_ =	shalt  }
0x79: {  	_ =	shalt  }
0x7a: {  	_ =	shalt  }
0x7b: {  	_ =	shalt  }
0x7c: {  	_ =	shalt  }
0x7d: {  	_ =	shalt  }
0x7e: {  	_ =	shalt  }
0x7f: {  	_ =	shalt  }
0x80: {  	_ =	shalt  }
0x81: {  	_ =	shalt  }
0x82: {  	_ =	shalt  }
0x83: {  	_ =	shalt  }
0x84: {  	_ =	shalt  }
0x85: {  	_ =	shalt  }
0x86: {  	_ =	shalt  }
0x87: {  	_ =	shalt  }
.Lfunc_end0:
.L_simem_size_0:
called_computation.1_lowered:
.L_overlay_start_0:
0x88: {  	s2 =	sld [smem:$0x3FD9]  }
0x89: {  	s3 =	sld [smem:$0x3FFE];
	_ =	sdelay $0x1  }
0x8a: {  	s1 =	srdreg.scid  }
0x8b: {  	s0 =	sand.u32 $0x1, s1  }
0x8c: {  	s17 =	sshll.u32 s0, $0xA;
	s2 =	sadd.s32 s3, s2  }
0x8d: {  	s2 =	sadd.s32 s2, s17  }
0x8e: {  	[smem:$0x3FC5] =	sst s2  }
0x8f: {  	_ = 	snop  }
0x90: {  	s2 =	sld [smem:$0x3FD0];
	(tm) =	ssettm $0x1  }
0x91: {  	s18 =	sld [smem:$0x3FFB];
	_ =	sdelay $0x3  }
0x92: {  	_ =	strace s18  }
0x93: {  	s3 =	sld [smem:$0x3FFC];
	_ =	sdelay $0x3  }
0x94: {  	_ =	strace s3  }
0x95: {  	s3 =	sld [smem:$0x3FFD];
	_ =	sdelay $0x3  }
0x96: {  	_ =	strace s3  }
0x97: {  	_ =	strace $0x8FFFFFFF  }
0x98: {  	s19 =	sld [smem:$0x3FDB];
	_ =	sdelay $0x1  }
0x99: {  	s4 =	simm.s32 $_scs_section_size  }
0x9a: {  	s5 =	simm.s32 $_size__tile_overlayer_lowered;
	s6 =	simm.s32 $_tile_overlayer_lowered  }
0x9b: {  	s22 =	simm.s32 $0x1BFF;
	s21 =	sshll.u32 s6, $0x1;
	s3 =	sadd.s32 s4, s19  }
0x9c: {  	s7 =	simm.s32 $0x0;
	s20 =	sshll.u32 s5, $0x1;
	s5 =	sadd.s32 s21, s3  }
0x9d: {  	[timem:s7], [sflag:s22] =	dma.local [hbm:s5], s20  }
0x9e: {  	_ =	swait.ge [sflag:s22], s20  }
0x9f: {  	s4 =	ssub.s32 $0x0, s20;
	[sflag:s22] =	ssyncset.done $0x0  }
0xa0: {  	[sflag:s22] =	ssyncadd.s32 s4;
	_ =	sdelay $0x1  }
0xa1: {  	s23 =	simm.s32 $0x1B8B  }
0xa2: {  	_ =	swait.ge [sflag:s23], $0x1  }
0xa3: {  	[sflag:s23] =	ssyncset.done $0x0  }
0xa4: {  	s25 =	simm.s32 $0x1B8E;
	s24 =	sld [smem:$0x3FFE];
	[sflag:s23] =	ssyncadd.s32 $0xFFFFFFFF  }
0xa5: {  	s26 =	simm.s32 $execute0_lowered;
	[smem:$0x3FD2] =	sst s25  }
0xa6: {  	s5 =	sshll.u32 s26, $0x1;
	_ =	strace $0x80000046;
	[dreg:$0x1] =	wrdreg $0xFFFFFFFF  }
0xa7: {  	s28 =	simm.s32 $_size_execute0_lowered;
	s3 =	sadd.s32 s3, s5;
	[dreg:$0x0] =	wrdreg $0x0  }
0xa8: {  	s5 =	sshll.u32 s28, $0x1;
	[dreg:$0x2] =	wrdreg s3  }
0xa9: {  	[dreg:$0x3] =	wrdreg s5  }
0xaa: {  	[dreg:$0x4] =	wrdreg $0xC0  }
0xab: {  	_ =	task [dreg:s7], $0x5FFFF  }
0xac: {  	[dreg:$0x1] =	wrdreg $0xFFFFFFFF  }
0xad: {  	[dreg:$0x0] =	wrdreg $0x60  }
0xae: {  	[dreg:$0x2] =	wrdreg s24  }
0xaf: {  	[dreg:$0x3] =	wrdreg s2  }
0xb0: {  	[dreg:$0x4] =	wrdreg $0x9  }
0xb1: {  	_ =	task.clear_ibuf [dreg:s7], $0x5FFFF;
	_ =	strace $0x90000046  }
0xb2: {  	s29 =	simm.s32 $0x9;
	_ =	strace $0x80000048  }
0xb3: {  	_ =	swait.ge [sflag:s29], $0x1  }
0xb4: {  	[sflag:s29] =	ssyncadd.s32 $0xFFFFFFFF  }
0xb5: {  	_ =	strace $0x90000048  }
0xb6: {  	_ =	sfence  }
0xb7: {  	s30 =	sld [smem:$0x0];
	_ =	sdelay $0x2  }
0xb8: {  	s31 =	sshll.u32 s1, $0xD;
	s1 =	sshrl.u32 s1, $0x2  }
0xb9: {  	s3 =	sand.u32 $0x4000, s31;
	s1 =	sadd.s32 s1, s30  }
0xba: {  	s0 =	sor.u32 s3, s0;
	s1 =	sshll.u32 s1, $0x11  }
0xbb: {  	s0 =	sor.u32 s1, s0  }
0xbc: {  	s0 =	sadd.s32 $0x8F2B, s0  }
0xbd: {  	[sflag:s0] =	ssyncadd.remote.s32 $0x1  }
0xbe: {  	_ =	sfence.sel $0xFFFF  }
0xbf: {  	[dreg:$0x0] =	wrdreg $0xFFFFFFFF;
	(pc) =	sbr.abs _section_cstart, $3  }
0xc0: {  	[dreg:$0x1] =	wrdreg $0xFFFFFFFF  }
0xc1: {  	_ =	task.clear_ibuf [dreg:s7], $0x2FFFF;
	_ =	strace $0x9FFFFFFF  }
0xc2: {  	(tm) =	ssettm $0x7FFFFFFF  }
0xc3: {  	_ =	shalt  }
tec
execute0_lowered:
.L_overlay_start_1:
0x0: {  	(tag) =	ssettag $0x1  }
0x1: {  	s0 =	srdreg.scid  }
0x2: {  	s1 =	rddreg [dreg:$0x0];
	s3 =	stileid.u32  }
0x3: {  	s2 =	rddreg [dreg:$0x1];
	s14 =	simm.s32 $0x28;
	s15 =	simm.s32 $0x9600  }
0x4: {  	s16 =	simm.s32 $0xA000;
	s18 =	simm.s32 $0xAA00;
	s20 =	simm.s32 $0xB400  }
0x5: {  	s22 =	simm.s32 $0xBE00;
	s29 =	simm.s32 $0xDC00;
	s31 =	simm.s32 $0xE600  }
0x6: {  	s13 =	simm.s32 $0x1;
	s17 =	simm.s32 $0xFA00;
	s23 =	simm.s32 $0x11800  }
0x7: {  	s28 =	simm.s32 $0x2;
	s30 =	simm.s32 $0x4;
	s0 =	sand.u32 $0x1, s0  }
0x8: {  	s10 =	simm.s32 $0x0;
	s4 =	sshll.u32 s3, $0x8;
	s5 =	sshll.u32 s0, $0x7  }
0x9: {  	s3 =	simm.s32 $0x0;
	s0 =	ssub.s32 $0x2, s0;
	s4 =	sor.u32 s5, s4  }
0xa: {  	[smem:$0x7FF] =	sst s3;
	s8 =	sshrl.u32 s0, $0x1;
	s5 =	smul.u32 $0x19, s4  }
0xb: {  	_ =	strace $0x80000047;
	s6 =	smul.u32 $0x3200, s4;
	s0 =	ssub.s32 s0, s8  }
0xc: {  	s8 =	sor.u32 $0x1, s4;
	s0 =	smax.u32 s0, $0x1;
	s7 =	sadd.s32 s5, s1  }
0xd: {  	s5 =	sadd.s32 $0xF43000, s1;
	s1 =	sadd.s32 $0x19C00, s1;
	s24 =	sshrl.u32 s6, $0x3  }
0xe: {  	[dreg:$0x7] =	wrdreg s0;
	s0 =	simm.s32 $0xF000;
	s6 =	simm.s32 $0x5  }
0xf: {  	[dreg:$0x3] =	wrdreg s1;
	s25 =	sadd.s32 $0xC00, s7;
	s1 =	sadd.s32 s2, s24  }
0x10: {  	s24 =	simm.s32 $0xC800;
	[dreg:$0x4] =	wrdreg s25;
	s26 =	sadd.s32 $0x31380, s1  }
0x11: {  	s1 =	sadd.s32 $0x319C0, s1;
	s25 =	simm.s32 $0x12200;
	[dreg:$0x5] =	wrdreg s26  }
0x12: {  	[dreg:$0x6] =	wrdreg s1;
	s26 =	simm.s32 $0xD200;
	s1 =	simm.s32 $0x3  }
.LBB2_1:
0x13: {  	[dreg:$0x8] =	wrdreg s10  }
0x14: {  	s7 =	rddreg [dreg:$0x4];
	s9 =	simm.s32 $0x7  }
0x15: {  	[tilespmem:s3], [sflag:$0x7] =	stream.linear.gather [hbm4b:s7+s3], $0x6400, $0x38;
	[tilespmem:$0x12C00] =	vst v63  }
0x16: {  	_ =	swait.ge [sflag:s9], $0x6400  }
0x17: {  	[sflag:s9] =	ssyncset.done $0x0  }
0x18: {  	s12 =	simm.s32 $0x6400;
	s11 =	rddreg [dreg:$0x3];
	[sflag:s9] =	ssyncadd.s32 $0xFFFF9C00  }
0x19: {  	[tilespmem:s12], [sflag:$0x7] =	stream.linear.gather [hbm4b:s11+s3], $0x3200, $0x38;
	[tilespmem:$0x12C00] =	vst v63  }
0x1a: {  	_ =	swait.ge [sflag:s9], $0x3200  }
0x1b: {  	[sflag:s9] =	ssyncset.done $0x0  }
0x1c: {  	[sflag:s9] =	ssyncadd.s32 $0xFFFFCE00  }
0x1d: {  	[tilespmem:s15], [sflag:$0x1] =	stream.indirect.gather [hbm4b:s5+s14], $0x40, s3, s14, $0xb8;
	[tilespmem:$0x12C00] =	vst v63  }
0x1e: {  	_ = 	snop  }
0x1f: {  	[tilespmem:s16], [sflag:$0x1] =	stream.indirect.gather [hbm4b:s5+s14], $0x40, s14, s14, $0xb8;
	[tilespmem:$0x12C00] =	vst v63  }
0x20: {  	s19 =	simm.s32 $0x50  }
0x21: {  	[tilespmem:s18], [sflag:$0x1] =	stream.indirect.gather [hbm4b:s5+s14], $0x40, s19, s14, $0xb8;
	[tilespmem:$0x12C00] =	vst v63  }
0x22: {  	s21 =	simm.s32 $0x78  }
0x23: {  	[tilespmem:s20], [sflag:$0x1] =	stream.indirect.gather [hbm4b:s5+s14], $0x40, s21, s14, $0xb8;
	[tilespmem:$0x12C00] =	vst v63  }
0x24: {  	s9 =	simm.s32 $0xA0  }
0x25: {  	[tilespmem:s22], [sflag:$0x1] =	stream.indirect.gather [hbm4b:s5+s14], $0x40, s9, s14, $0xb8;
	[tilespmem:$0x12C00] =	vst v63  }
0x26: {  	s10 =	simm.s32 $0xC8  }
0x27: {  	[tilespmem:s24], [sflag:$0x2] =	stream.indirect.gather [hbm4b:s5+s14], $0x40, s10, s14, $0xb8;
	[tilespmem:$0x12C00] =	vst v63  }
0x28: {  	s11 =	simm.s32 $0xF0  }
0x29: {  	[tilespmem:s26], [sflag:$0x2] =	stream.indirect.gather [hbm4b:s5+s14], $0x40, s11, s14, $0xb8;
	[tilespmem:$0x12C00] =	vst v63  }
0x2a: {  	s12 =	simm.s32 $0x118  }
0x2b: {  	[tilespmem:s29], [sflag:$0x2] =	stream.indirect.gather [hbm4b:s5+s14], $0x40, s12, s14, $0xb8;
	[tilespmem:$0x12C00] =	vst v63  }
0x2c: {  	s19 =	simm.s32 $0x140  }
0x2d: {  	[tilespmem:s31], [sflag:$0x2] =	stream.indirect.gather [hbm4b:s5+s14], $0x40, s19, s14, $0xb8;
	[tilespmem:$0x12C00] =	vst v63  }
0x2e: {  	s21 =	simm.s32 $0x168;
	s10 =	simm.s32 $0x0  }
0x2f: {  	[tilespmem:s0], [sflag:$0x2] =	stream.indirect.gather [hbm4b:s5+s14], $0x40, s21, s14, $0xb8;
	[tilespmem:$0x12C00] =	vst v63  }
.LBB2_2:
0x30: {  	_ =	swait.ge [sflag:s13], $0xA00  }
0x31: {  	[sflag:s13] =	ssyncset.done $0x0  }
0x32: {  	[sflag:s13] =	ssyncadd.s32 $0xFFFFF600  }
0x33: {  	_ =	swait.ge [sflag:s13], $0xA00  }
0x34: {  	[sflag:s13] =	ssyncset.done $0x0  }
0x35: {  	[sflag:s13] =	ssyncadd.s32 $0xFFFFF600  }
0x36: {  	_ =	swait.ge [sflag:s13], $0xA00  }
0x37: {  	[sflag:s13] =	ssyncset.done $0x0  }
0x38: {  	[sflag:s13] =	ssyncadd.s32 $0xFFFFF600  }
0x39: {  	_ =	swait.ge [sflag:s13], $0xA00  }
0x3a: {  	[sflag:s13] =	ssyncset.done $0x0  }
0x3b: {  	[sflag:s13] =	ssyncadd.s32 $0xFFFFF600  }
0x3c: {  	_ =	swait.ge [sflag:s13], $0xA00  }
0x3d: {  	[sflag:s13] =	ssyncset.done $0x0  }
0x3e: {  	s11 =	simm.s32 $0x9680;
	[sflag:s13] =	ssyncadd.s32 $0xFFFFF600  }
0x3f: {  	s7 =	simm.s32 $0x6480;
	v0 =	vld [tilespmem:s11+$0x40]  }
0x40: {  	v1 =	vld [tilespmem:s7+$0x40]  }
0x41: {  	v2 =	vld [tilespmem:s11+$0xFFFFFFC0]  }
0x42: {  	v3 =	vld [tilespmem:s7+$0xFFFFFFC0]  }
0x43: {  	v4 =	vld [tilespmem:s11+$0x0]  }
0x44: {  	v5 =	vld [tilespmem:s7+$0x0]  }
0x45: {  	v6 =	vld [tilespmem:s11+$0xFFFFFF80];
	v0 =	vadd.f32 v1, v0  }
0x46: {  	v1 =	vld [tilespmem:s7+$0xFFFFFF80]  }
0x47: {  	[tilespmem:s11+$0x40] =	vst v0;
	v0 =	vld [tilespmem:s11+$0x50]  }
0x48: {  	v2 =	vadd.f32 v3, v2;
	v3 =	vld [tilespmem:s7+$0x50]  }
0x49: {  	v7 =	vld [tilespmem:s11+$0xFFFFFF90]  }
0x4a: {  	[tilespmem:s11+$0xFFFFFFC0] =	vst v2;
	v2 =	vadd.f32 v5, v4;
	v4 =	vld [tilespmem:s11+$0xFFFFFFD0]  }
0x4b: {  	v5 =	vld [tilespmem:s7+$0xFFFFFFD0];
	v1 =	vadd.f32 v1, v6  }
0x4c: {  	[tilespmem:s11+$0x0] =	vst v2;
	v2 =	vld [tilespmem:s11+$0x10]  }
0x4d: {  	v6 =	vld [tilespmem:s7+$0x10];
	[tilespmem:s11+$0xFFFFFF80] =	vst v1;
	v0 =	vadd.f32 v3, v0  }
0x4e: {  	v1 =	vld [tilespmem:s7+$0xFFFFFF90]  }
0x4f: {  	[tilespmem:s11+$0x50] =	vst v0;
	v0 =	vld [tilespmem:s11+$0x60]  }
0x50: {  	v3 =	vadd.f32 v5, v4;
	v4 =	vld [tilespmem:s7+$0x60]  }
0x51: {  	v5 =	vld [tilespmem:s11+$0xFFFFFFA0]  }
0x52: {  	[tilespmem:s11+$0xFFFFFFD0] =	vst v3;
	v2 =	vadd.f32 v6, v2;
	v3 =	vld [tilespmem:s11+$0xFFFFFFE0]  }
0x53: {  	v6 =	vld [tilespmem:s7+$0xFFFFFFE0];
	v1 =	vadd.f32 v1, v7  }
0x54: {  	[tilespmem:s11+$0x10] =	vst v2;
	v2 =	vld [tilespmem:s11+$0x20]  }
0x55: {  	v7 =	vld [tilespmem:s7+$0x20];
	[tilespmem:s11+$0xFFFFFF90] =	vst v1;
	v0 =	vadd.f32 v4, v0  }
0x56: {  	v4 =	vld [tilespmem:s7+$0xFFFFFFA0]  }
0x57: {  	v8 =	vld [tilespmem:s11+$0x70];
	[tilespmem:s11+$0x60] =	vst v0  }
0x58: {  	v1 =	vadd.f32 v6, v3;
	v6 =	vld [tilespmem:s7+$0x70]  }
0x59: {  	v0 =	vld [tilespmem:s11+$0xFFFFFFB0]  }
0x5a: {  	[tilespmem:s11+$0xFFFFFFE0] =	vst v1;
	v2 =	vadd.f32 v7, v2;
	v1 =	vld [tilespmem:s11+$0xFFFFFFF0]  }
0x5b: {  	v3 =	vld [tilespmem:s7+$0xFFFFFFF0];
	v4 =	vadd.f32 v4, v5  }
0x5c: {  	[tilespmem:s11+$0x20] =	vst v2;
	v2 =	vld [tilespmem:s11+$0x30]  }
0x5d: {  	[tilespmem:s11+$0xFFFFFFA0] =	vst v4;
	v4 =	vld [tilespmem:s7+$0x30];
	v6 =	vadd.f32 v6, v8  }
0x5e: {  	s9 =	simm.s32 $0x0;
	s12 =	simm.s32 $0x9780;
	v5 =	vld [tilespmem:s7+$0xFFFFFFB0]  }
.LBB2_3:
0x5f: {  	v7 =	vld [tilespmem:s12+$0x40];
	[tilespmem:s11+$0x70] =	vst v6;
	s7 =	sadd.s32 $0x100, s7  }
0x60: {  	s9 =	sadd.s32 $0x4, s9;
	v6 =	vld [tilespmem:s7+$0x40];
	v1 =	vadd.f32 v3, v1  }
0x61: {  	p0 =	slt.u32 s9, $0xC4;
	v3 =	vld [tilespmem:s7+$0xFFFFFF80]  }
0x62: {  	v8 =	vld [tilespmem:s12+$0xFFFFFFC0];
	[tilespmem:s11+$0xFFFFFFF0] =	vst v1;
	v1 =	vadd.f32 v4, v2  }
0x63: {  	v2 =	vld [tilespmem:s7+$0xFFFFFFC0];
	v0 =	vadd.f32 v5, v0  }
0x64: {  	v4 =	vld [tilespmem:s12+$0x0];
	[tilespmem:s11+$0x30] =	vst v1  }
0x65: {  	v1 =	vld [tilespmem:s7+$0x0];
	v5 =	vadd.f32 v6, v7;
	[tilespmem:s11+$0xFFFFFFB0] =	vst v0;
	s11 =	smov.u32 s12  }
0x66: {  	v0 =	vld [tilespmem:s12+$0xFFFFFF80]  }
0x67: {  	[tilespmem:s12+$0x40] =	vst v5;
	v5 =	vld [tilespmem:s12+$0x50]  }
0x68: {  	v2 =	vadd.f32 v2, v8;
	v6 =	vld [tilespmem:s7+$0x50]  }
0x69: {  	v7 =	vld [tilespmem:s12+$0xFFFFFF90]  }
0x6a: {  	[tilespmem:s12+$0xFFFFFFC0] =	vst v2;
	v2 =	vld [tilespmem:s12+$0xFFFFFFD0];
	v1 =	vadd.f32 v1, v4  }
0x6b: {  	v0 =	vadd.f32 v3, v0;
	v3 =	vld [tilespmem:s7+$0xFFFFFFD0]  }
0x6c: {  	[tilespmem:s12+$0x0] =	vst v1;
	v1 =	vld [tilespmem:s12+$0x10]  }
0x6d: {  	[tilespmem:s12+$0xFFFFFF80] =	vst v0;
	v0 =	vld [tilespmem:s7+$0x10];
	v4 =	vadd.f32 v6, v5  }
0x6e: {  	v5 =	vld [tilespmem:s7+$0xFFFFFF90]  }
0x6f: {  	[tilespmem:s12+$0x50] =	vst v4;
	v4 =	vld [tilespmem:s12+$0x60]  }
0x70: {  	v2 =	vadd.f32 v3, v2;
	v3 =	vld [tilespmem:s7+$0x60]  }
0x71: {  	v6 =	vld [tilespmem:s12+$0xFFFFFFA0]  }
0x72: {  	[tilespmem:s12+$0xFFFFFFD0] =	vst v2;
	v2 =	vld [tilespmem:s12+$0xFFFFFFE0];
	v0 =	vadd.f32 v0, v1  }
0x73: {  	v1 =	vadd.f32 v5, v7;
	v5 =	vld [tilespmem:s7+$0xFFFFFFE0]  }
0x74: {  	[tilespmem:s12+$0x10] =	vst v0;
	v7 =	vld [tilespmem:s12+$0x20]  }
0x75: {  	[tilespmem:s12+$0xFFFFFF90] =	vst v1;
	v8 =	vld [tilespmem:s7+$0x20];
	v0 =	vadd.f32 v3, v4  }
0x76: {  	v3 =	vld [tilespmem:s7+$0xFFFFFFA0]  }
0x77: {  	[tilespmem:s12+$0x60] =	vst v0;
	v9 =	vld [tilespmem:s12+$0x70]  }
0x78: {  	v1 =	vadd.f32 v5, v2;
	v5 =	vld [tilespmem:s7+$0x70]  }
0x79: {  	v0 =	vld [tilespmem:s12+$0xFFFFFFB0]  }
.Ltmp0:
0x7a: {  	[tilespmem:s12+$0xFFFFFFE0] =	vst v1;
	v1 =	vld [tilespmem:s12+$0xFFFFFFF0];
	v2 =	vadd.f32 v8, v7;
	(pc) =	sbr.rel @p0 .LBB2_3-.Ltmp0, $4  }
0x7b: {  	v4 =	vadd.f32 v3, v6;
	v3 =	vld [tilespmem:s7+$0xFFFFFFF0]  }
0x7c: {  	[tilespmem:s12+$0x20] =	vst v2;
	v2 =	vld [tilespmem:s12+$0x30]  }
0x7d: {  	[tilespmem:s12+$0xFFFFFFA0] =	vst v4;
	v4 =	vld [tilespmem:s7+$0x30];
	v6 =	vadd.f32 v5, v9  }
0x7e: {  	s12 =	sadd.s32 $0x100, s12;
	v5 =	vld [tilespmem:s7+$0xFFFFFFB0]  }
0x7f: {  	_ = 	snop  }
0x80: {  	s7 =	smul.u32 $0x3, s10  }
0x81: {  	v1 =	vadd.f32 v3, v1  }
0x82: {  	[tilespmem:s11+$0x70] =	vst v6;
	s9 =	sadd.s32 s4, s7;
	v2 =	vadd.f32 v4, v2  }
0x83: {  	[tilespmem:s11+$0xFFFFFFF0] =	vst v1;
	s9 =	smul.u32 $0x640, s9;
	v0 =	vadd.f32 v5, v0  }
0x84: {  	[tilespmem:s11+$0x30] =	vst v2  }
0x85: {  	p0 =	seq.s32 s10, $0x0;
	s9 =	sadd.s32 s2, s9;
	[tilespmem:s11+$0xFFFFFFB0] =	vst v0  }
0x86: {  	[hbm4b:s9+s3] =	stream.linear.scatter [tilespmem:s15], [sflag:$0x4], $0x3200, $0x38;
	[tilespmem:$0x12C00] =	vst v63  }
0x87: {  	s11 =	sadd.s32 $0x2, s7;
	s9 =	simm.s32 @!p0 $0x6  }
0x88: {  	s12 =	smul.u32 $0x320, s11;
	_ =	swait.ge @!p0 [sflag:s9], $0x3200  }
0x89: {  	[sflag:s9] =	ssyncset.done @!p0 $0x0  }
0x8a: {  	[sflag:s9] =	ssyncadd.s32 @!p0 $0xFFFFCE00;
	s9 =	sshra.s32 s12, $0x2  }
0x8b: {  	[tilespmem:s17], [sflag:$0x3] =	stream.indirect.gather [hbm4b:s5+s14], $0x40, s9, s14, $0xb8;
	[tilespmem:$0x12C00] =	vst v63  }
0x8c: {  	s19 =	simm.s32 $0x10400;
	s12 =	sadd.s32 $0x28, s9  }
0x8d: {  	[tilespmem:s19], [sflag:$0x3] =	stream.indirect.gather [hbm4b:s5+s14], $0x40, s12, s14, $0xb8;
	[tilespmem:$0x12C00] =	vst v63  }
0x8e: {  	s21 =	simm.s32 $0x10E00;
	s19 =	sadd.s32 $0x50, s9  }
0x8f: {  	[tilespmem:s21], [sflag:$0x3] =	stream.indirect.gather [hbm4b:s5+s14], $0x40, s19, s14, $0xb8;
	[tilespmem:$0x12C00] =	vst v63  }
0x90: {  	s21 =	sadd.s32 $0x78, s9  }
0x91: {  	[tilespmem:s23], [sflag:$0x3] =	stream.indirect.gather [hbm4b:s5+s14], $0x40, s21, s14, $0xb8;
	[tilespmem:$0x12C00] =	vst v63  }
0x92: {  	s9 =	sadd.s32 $0xA0, s9  }
0x93: {  	[tilespmem:s25], [sflag:$0x3] =	stream.indirect.gather [hbm4b:s5+s14], $0x40, s9, s14, $0xb8;
	[tilespmem:$0x12C00] =	vst v63  }
0x94: {  	_ =	swait.ge [sflag:s28], $0xA00  }
0x95: {  	[sflag:s28] =	ssyncset.done $0x0  }
0x96: {  	[sflag:s28] =	ssyncadd.s32 $0xFFFFF600  }
0x97: {  	_ =	swait.ge [sflag:s28], $0xA00  }
0x98: {  	[sflag:s28] =	ssyncset.done $0x0  }
0x99: {  	[sflag:s28] =	ssyncadd.s32 $0xFFFFF600  }
0x9a: {  	_ =	swait.ge [sflag:s28], $0xA00  }
0x9b: {  	[sflag:s28] =	ssyncset.done $0x0  }
0x9c: {  	[sflag:s28] =	ssyncadd.s32 $0xFFFFF600  }
0x9d: {  	_ =	swait.ge [sflag:s28], $0xA00  }
0x9e: {  	[sflag:s28] =	ssyncset.done $0x0  }
0x9f: {  	[sflag:s28] =	ssyncadd.s32 $0xFFFFF600  }
0xa0: {  	_ =	swait.ge [sflag:s28], $0xA00  }
0xa1: {  	[sflag:s28] =	ssyncset.done $0x0  }
0xa2: {  	s12 =	simm.s32 $0xC880;
	[sflag:s28] =	ssyncadd.s32 $0xFFFFF600  }
0xa3: {  	s9 =	simm.s32 $0x6480;
	v0 =	vld [tilespmem:s12+$0x40]  }
0xa4: {  	v1 =	vld [tilespmem:s9+$0x40]  }
0xa5: {  	v2 =	vld [tilespmem:s12+$0xFFFFFFC0]  }
0xa6: {  	v3 =	vld [tilespmem:s9+$0xFFFFFFC0]  }
0xa7: {  	v4 =	vld [tilespmem:s12+$0x0]  }
0xa8: {  	v5 =	vld [tilespmem:s9+$0x0]  }
0xa9: {  	v6 =	vld [tilespmem:s12+$0xFFFFFF80];
	v0 =	vadd.f32 v1, v0  }
0xaa: {  	v1 =	vld [tilespmem:s9+$0xFFFFFF80]  }
0xab: {  	[tilespmem:s12+$0x40] =	vst v0;
	v0 =	vld [tilespmem:s12+$0x50]  }
0xac: {  	v2 =	vadd.f32 v3, v2;
	v3 =	vld [tilespmem:s9+$0x50]  }
0xad: {  	v7 =	vld [tilespmem:s12+$0xFFFFFF90]  }
0xae: {  	[tilespmem:s12+$0xFFFFFFC0] =	vst v2;
	v2 =	vadd.f32 v5, v4;
	v4 =	vld [tilespmem:s12+$0xFFFFFFD0]  }
0xaf: {  	v5 =	vld [tilespmem:s9+$0xFFFFFFD0];
	v1 =	vadd.f32 v1, v6  }
0xb0: {  	[tilespmem:s12+$0x0] =	vst v2;
	v2 =	vld [tilespmem:s12+$0x10]  }
0xb1: {  	v6 =	vld [tilespmem:s9+$0x10];
	[tilespmem:s12+$0xFFFFFF80] =	vst v1;
	v0 =	vadd.f32 v3, v0  }
0xb2: {  	v1 =	vld [tilespmem:s9+$0xFFFFFF90]  }
0xb3: {  	[tilespmem:s12+$0x50] =	vst v0;
	v0 =	vld [tilespmem:s12+$0x60]  }
0xb4: {  	v3 =	vadd.f32 v5, v4;
	v4 =	vld [tilespmem:s9+$0x60]  }
0xb5: {  	v5 =	vld [tilespmem:s12+$0xFFFFFFA0]  }
0xb6: {  	[tilespmem:s12+$0xFFFFFFD0] =	vst v3;
	v2 =	vadd.f32 v6, v2;
	v3 =	vld [tilespmem:s12+$0xFFFFFFE0]  }
0xb7: {  	v6 =	vld [tilespmem:s9+$0xFFFFFFE0];
	v1 =	vadd.f32 v1, v7  }
0xb8: {  	[tilespmem:s12+$0x10] =	vst v2;
	v2 =	vld [tilespmem:s12+$0x20]  }
0xb9: {  	v7 =	vld [tilespmem:s9+$0x20];
	[tilespmem:s12+$0xFFFFFF90] =	vst v1;
	v0 =	vadd.f32 v4, v0  }
0xba: {  	v4 =	vld [tilespmem:s9+$0xFFFFFFA0]  }
0xbb: {  	v8 =	vld [tilespmem:s12+$0x70];
	[tilespmem:s12+$0x60] =	vst v0  }
0xbc: {  	v1 =	vadd.f32 v6, v3;
	v6 =	vld [tilespmem:s9+$0x70]  }
0xbd: {  	v0 =	vld [tilespmem:s12+$0xFFFFFFB0]  }
0xbe: {  	[tilespmem:s12+$0xFFFFFFE0] =	vst v1;
	v2 =	vadd.f32 v7, v2;
	v1 =	vld [tilespmem:s12+$0xFFFFFFF0]  }
0xbf: {  	v3 =	vld [tilespmem:s9+$0xFFFFFFF0];
	v4 =	vadd.f32 v4, v5  }
0xc0: {  	[tilespmem:s12+$0x20] =	vst v2;
	v2 =	vld [tilespmem:s12+$0x30]  }
0xc1: {  	[tilespmem:s12+$0xFFFFFFA0] =	vst v4;
	v4 =	vld [tilespmem:s9+$0x30];
	v6 =	vadd.f32 v6, v8  }
0xc2: {  	s19 =	simm.s32 $0x0;
	s21 =	simm.s32 $0xC980;
	v5 =	vld [tilespmem:s9+$0xFFFFFFB0]  }
.LBB2_5:
0xc3: {  	v7 =	vld [tilespmem:s21+$0x40];
	[tilespmem:s12+$0x70] =	vst v6;
	s9 =	sadd.s32 $0x100, s9  }
0xc4: {  	s19 =	sadd.s32 $0x4, s19;
	v6 =	vld [tilespmem:s9+$0x40];
	v1 =	vadd.f32 v3, v1  }
0xc5: {  	p0 =	slt.u32 s19, $0xC4;
	v3 =	vld [tilespmem:s9+$0xFFFFFF80]  }
0xc6: {  	v8 =	vld [tilespmem:s21+$0xFFFFFFC0];
	[tilespmem:s12+$0xFFFFFFF0] =	vst v1;
	v1 =	vadd.f32 v4, v2  }
0xc7: {  	v2 =	vld [tilespmem:s9+$0xFFFFFFC0];
	v0 =	vadd.f32 v5, v0  }
0xc8: {  	v4 =	vld [tilespmem:s21+$0x0];
	[tilespmem:s12+$0x30] =	vst v1  }
0xc9: {  	v1 =	vld [tilespmem:s9+$0x0];
	v5 =	vadd.f32 v6, v7;
	[tilespmem:s12+$0xFFFFFFB0] =	vst v0;
	s12 =	smov.u32 s21  }
0xca: {  	v0 =	vld [tilespmem:s21+$0xFFFFFF80]  }
0xcb: {  	[tilespmem:s21+$0x40] =	vst v5;
	v5 =	vld [tilespmem:s21+$0x50]  }
0xcc: {  	v2 =	vadd.f32 v2, v8;
	v6 =	vld [tilespmem:s9+$0x50]  }
0xcd: {  	v7 =	vld [tilespmem:s21+$0xFFFFFF90]  }
0xce: {  	[tilespmem:s21+$0xFFFFFFC0] =	vst v2;
	v2 =	vld [tilespmem:s21+$0xFFFFFFD0];
	v1 =	vadd.f32 v1, v4  }
0xcf: {  	v0 =	vadd.f32 v3, v0;
	v3 =	vld [tilespmem:s9+$0xFFFFFFD0]  }
0xd0: {  	[tilespmem:s21+$0x0] =	vst v1;
	v1 =	vld [tilespmem:s21+$0x10]  }
0xd1: {  	[tilespmem:s21+$0xFFFFFF80] =	vst v0;
	v0 =	vld [tilespmem:s9+$0x10];
	v4 =	vadd.f32 v6, v5  }
0xd2: {  	v5 =	vld [tilespmem:s9+$0xFFFFFF90]  }
0xd3: {  	[tilespmem:s21+$0x50] =	vst v4;
	v4 =	vld [tilespmem:s21+$0x60]  }
0xd4: {  	v2 =	vadd.f32 v3, v2;
	v3 =	vld [tilespmem:s9+$0x60]  }
0xd5: {  	v6 =	vld [tilespmem:s21+$0xFFFFFFA0]  }
0xd6: {  	[tilespmem:s21+$0xFFFFFFD0] =	vst v2;
	v2 =	vld [tilespmem:s21+$0xFFFFFFE0];
	v0 =	vadd.f32 v0, v1  }
0xd7: {  	v1 =	vadd.f32 v5, v7;
	v5 =	vld [tilespmem:s9+$0xFFFFFFE0]  }
0xd8: {  	[tilespmem:s21+$0x10] =	vst v0;
	v7 =	vld [tilespmem:s21+$0x20]  }
0xd9: {  	[tilespmem:s21+$0xFFFFFF90] =	vst v1;
	v8 =	vld [tilespmem:s9+$0x20];
	v0 =	vadd.f32 v3, v4  }
0xda: {  	v3 =	vld [tilespmem:s9+$0xFFFFFFA0]  }
0xdb: {  	[tilespmem:s21+$0x60] =	vst v0;
	v9 =	vld [tilespmem:s21+$0x70]  }
0xdc: {  	v1 =	vadd.f32 v5, v2;
	v5 =	vld [tilespmem:s9+$0x70]  }
0xdd: {  	v0 =	vld [tilespmem:s21+$0xFFFFFFB0]  }
.Ltmp1:
0xde: {  	[tilespmem:s21+$0xFFFFFFE0] =	vst v1;
	v1 =	vld [tilespmem:s21+$0xFFFFFFF0];
	v2 =	vadd.f32 v8, v7;
	(pc) =	sbr.rel @p0 .LBB2_5-.Ltmp1, $4  }
0xdf: {  	v4 =	vadd.f32 v3, v6;
	v3 =	vld [tilespmem:s9+$0xFFFFFFF0]  }
0xe0: {  	[tilespmem:s21+$0x20] =	vst v2;
	v2 =	vld [tilespmem:s21+$0x30]  }
0xe1: {  	[tilespmem:s21+$0xFFFFFFA0] =	vst v4;
	v4 =	vld [tilespmem:s9+$0x30];
	v6 =	vadd.f32 v5, v9  }
0xe2: {  	s21 =	sadd.s32 $0x100, s21;
	v5 =	vld [tilespmem:s9+$0xFFFFFFB0]  }
0xe3: {  	_ =	sdelay $0x1  }
0xe4: {  	v1 =	vadd.f32 v3, v1  }
0xe5: {  	[tilespmem:s12+$0x70] =	vst v6;
	s7 =	sadd.s32 s7, s8;
	v2 =	vadd.f32 v4, v2  }
0xe6: {  	s7 =	smul.u32 $0x640, s7;
	[tilespmem:s12+$0xFFFFFFF0] =	vst v1;
	v0 =	vadd.f32 v5, v0  }
0xe7: {  	[tilespmem:s12+$0x30] =	vst v2  }
0xe8: {  	s19 =	smul.u32 $0x960, s10;
	s7 =	sadd.s32 s2, s7;
	[tilespmem:s12+$0xFFFFFFB0] =	vst v0  }
0xe9: {  	[hbm4b:s7+s3] =	stream.linear.scatter [tilespmem:s24], [sflag:$0x5], $0x3200, $0x38;
	[tilespmem:$0x12C00] =	vst v63  }
0xea: {  	_ =	swait.ge [sflag:s30], $0x3200  }
0xeb: {  	s7 =	sshra.s32 s19, $0x2;
	[sflag:s30] =	ssyncset.done $0x0  }
0xec: {  	s9 =	sadd.s32 $0x258, s7;
	[sflag:s30] =	ssyncadd.s32 $0xFFFFCE00  }
0xed: {  	[tilespmem:s15], [sflag:$0x1] =	stream.indirect.gather [hbm4b:s5+s14], $0x40, s9, s14, $0xb8;
	[tilespmem:$0x12C00] =	vst v63  }
0xee: {  	s21 =	sadd.s32 $0x280, s7  }
0xef: {  	[tilespmem:s16], [sflag:$0x1] =	stream.indirect.gather [hbm4b:s5+s14], $0x40, s21, s14, $0xb8;
	[tilespmem:$0x12C00] =	vst v63  }
0xf0: {  	s12 =	sadd.s32 $0x2A8, s7  }
0xf1: {  	[tilespmem:s18], [sflag:$0x1] =	stream.indirect.gather [hbm4b:s5+s14], $0x40, s12, s14, $0xb8;
	[tilespmem:$0x12C00] =	vst v63  }
0xf2: {  	s19 =	sadd.s32 $0x2D0, s7  }
0xf3: {  	[tilespmem:s20], [sflag:$0x1] =	stream.indirect.gather [hbm4b:s5+s14], $0x40, s19, s14, $0xb8;
	[tilespmem:$0x12C00] =	vst v63  }
0xf4: {  	s21 =	sadd.s32 $0x2F8, s7  }
0xf5: {  	[tilespmem:s22], [sflag:$0x1] =	stream.indirect.gather [hbm4b:s5+s14], $0x40, s21, s14, $0xb8;
	[tilespmem:$0x12C00] =	vst v63  }
0xf6: {  	_ =	swait.ge [sflag:s1], $0xA00  }
0xf7: {  	[sflag:s1] =	ssyncset.done $0x0  }
0xf8: {  	[sflag:s1] =	ssyncadd.s32 $0xFFFFF600  }
0xf9: {  	_ =	swait.ge [sflag:s1], $0xA00  }
0xfa: {  	[sflag:s1] =	ssyncset.done $0x0  }
0xfb: {  	[sflag:s1] =	ssyncadd.s32 $0xFFFFF600  }
0xfc: {  	_ =	swait.ge [sflag:s1], $0xA00  }
0xfd: {  	[sflag:s1] =	ssyncset.done $0x0  }
0xfe: {  	[sflag:s1] =	ssyncadd.s32 $0xFFFFF600  }
0xff: {  	_ =	swait.ge [sflag:s1], $0xA00  }
0x100: {  	[sflag:s1] =	ssyncset.done $0x0  }
0x101: {  	[sflag:s1] =	ssyncadd.s32 $0xFFFFF600  }
0x102: {  	_ =	swait.ge [sflag:s1], $0xA00  }
0x103: {  	[sflag:s1] =	ssyncset.done $0x0  }
0x104: {  	s12 =	simm.s32 $0xFA80;
	[sflag:s1] =	ssyncadd.s32 $0xFFFFF600  }
0x105: {  	s9 =	simm.s32 $0x6480;
	v0 =	vld [tilespmem:s12+$0x40]  }
0x106: {  	v1 =	vld [tilespmem:s9+$0x40]  }
0x107: {  	v2 =	vld [tilespmem:s12+$0xFFFFFFC0]  }
0x108: {  	v3 =	vld [tilespmem:s9+$0xFFFFFFC0]  }
0x109: {  	v4 =	vld [tilespmem:s12+$0x0]  }
0x10a: {  	v5 =	vld [tilespmem:s9+$0x0]  }
0x10b: {  	v6 =	vld [tilespmem:s12+$0xFFFFFF80];
	v0 =	vadd.f32 v1, v0  }
0x10c: {  	v1 =	vld [tilespmem:s9+$0xFFFFFF80]  }
0x10d: {  	[tilespmem:s12+$0x40] =	vst v0;
	v0 =	vld [tilespmem:s12+$0x50]  }
0x10e: {  	v2 =	vadd.f32 v3, v2;
	v3 =	vld [tilespmem:s9+$0x50]  }
0x10f: {  	v7 =	vld [tilespmem:s12+$0xFFFFFF90]  }
0x110: {  	[tilespmem:s12+$0xFFFFFFC0] =	vst v2;
	v2 =	vadd.f32 v5, v4;
	v4 =	vld [tilespmem:s12+$0xFFFFFFD0]  }
0x111: {  	v5 =	vld [tilespmem:s9+$0xFFFFFFD0];
	v1 =	vadd.f32 v1, v6  }
0x112: {  	[tilespmem:s12+$0x0] =	vst v2;
	v2 =	vld [tilespmem:s12+$0x10]  }
0x113: {  	v6 =	vld [tilespmem:s9+$0x10];
	[tilespmem:s12+$0xFFFFFF80] =	vst v1;
	v0 =	vadd.f32 v3, v0  }
0x114: {  	v1 =	vld [tilespmem:s9+$0xFFFFFF90]  }
0x115: {  	[tilespmem:s12+$0x50] =	vst v0;
	v0 =	vld [tilespmem:s12+$0x60]  }
0x116: {  	v3 =	vadd.f32 v5, v4;
	v4 =	vld [tilespmem:s9+$0x60]  }
0x117: {  	v5 =	vld [tilespmem:s12+$0xFFFFFFA0]  }
0x118: {  	[tilespmem:s12+$0xFFFFFFD0] =	vst v3;
	v2 =	vadd.f32 v6, v2;
	v3 =	vld [tilespmem:s12+$0xFFFFFFE0]  }
0x119: {  	v6 =	vld [tilespmem:s9+$0xFFFFFFE0];
	v1 =	vadd.f32 v1, v7  }
0x11a: {  	[tilespmem:s12+$0x10] =	vst v2;
	v2 =	vld [tilespmem:s12+$0x20]  }
0x11b: {  	v7 =	vld [tilespmem:s9+$0x20];
	[tilespmem:s12+$0xFFFFFF90] =	vst v1;
	v0 =	vadd.f32 v4, v0  }
0x11c: {  	v4 =	vld [tilespmem:s9+$0xFFFFFFA0]  }
0x11d: {  	v8 =	vld [tilespmem:s12+$0x70];
	[tilespmem:s12+$0x60] =	vst v0  }
0x11e: {  	v1 =	vadd.f32 v6, v3;
	v6 =	vld [tilespmem:s9+$0x70]  }
0x11f: {  	v0 =	vld [tilespmem:s12+$0xFFFFFFB0]  }
0x120: {  	[tilespmem:s12+$0xFFFFFFE0] =	vst v1;
	v2 =	vadd.f32 v7, v2;
	v1 =	vld [tilespmem:s12+$0xFFFFFFF0]  }
0x121: {  	v3 =	vld [tilespmem:s9+$0xFFFFFFF0];
	v4 =	vadd.f32 v4, v5  }
0x122: {  	[tilespmem:s12+$0x20] =	vst v2;
	v2 =	vld [tilespmem:s12+$0x30]  }
0x123: {  	[tilespmem:s12+$0xFFFFFFA0] =	vst v4;
	v4 =	vld [tilespmem:s9+$0x30];
	v6 =	vadd.f32 v6, v8  }
0x124: {  	s19 =	simm.s32 $0x0;
	s21 =	simm.s32 $0xFB80;
	v5 =	vld [tilespmem:s9+$0xFFFFFFB0]  }
.LBB2_7:
0x125: {  	v7 =	vld [tilespmem:s21+$0x40];
	[tilespmem:s12+$0x70] =	vst v6;
	s9 =	sadd.s32 $0x100, s9  }
0x126: {  	s19 =	sadd.s32 $0x4, s19;
	v6 =	vld [tilespmem:s9+$0x40];
	v1 =	vadd.f32 v3, v1  }
0x127: {  	p0 =	slt.u32 s19, $0xC4;
	v3 =	vld [tilespmem:s9+$0xFFFFFF80]  }
0x128: {  	v8 =	vld [tilespmem:s21+$0xFFFFFFC0];
	[tilespmem:s12+$0xFFFFFFF0] =	vst v1;
	v1 =	vadd.f32 v4, v2  }
0x129: {  	v2 =	vld [tilespmem:s9+$0xFFFFFFC0];
	v0 =	vadd.f32 v5, v0  }
0x12a: {  	v4 =	vld [tilespmem:s21+$0x0];
	[tilespmem:s12+$0x30] =	vst v1  }
0x12b: {  	v1 =	vld [tilespmem:s9+$0x0];
	v5 =	vadd.f32 v6, v7;
	[tilespmem:s12+$0xFFFFFFB0] =	vst v0;
	s12 =	smov.u32 s21  }
0x12c: {  	v0 =	vld [tilespmem:s21+$0xFFFFFF80]  }
0x12d: {  	[tilespmem:s21+$0x40] =	vst v5;
	v5 =	vld [tilespmem:s21+$0x50]  }
0x12e: {  	v2 =	vadd.f32 v2, v8;
	v6 =	vld [tilespmem:s9+$0x50]  }
0x12f: {  	v7 =	vld [tilespmem:s21+$0xFFFFFF90]  }
0x130: {  	[tilespmem:s21+$0xFFFFFFC0] =	vst v2;
	v2 =	vld [tilespmem:s21+$0xFFFFFFD0];
	v1 =	vadd.f32 v1, v4  }
0x131: {  	v0 =	vadd.f32 v3, v0;
	v3 =	vld [tilespmem:s9+$0xFFFFFFD0]  }
0x132: {  	[tilespmem:s21+$0x0] =	vst v1;
	v1 =	vld [tilespmem:s21+$0x10]  }
0x133: {  	[tilespmem:s21+$0xFFFFFF80] =	vst v0;
	v0 =	vld [tilespmem:s9+$0x10];
	v4 =	vadd.f32 v6, v5  }
0x134: {  	v5 =	vld [tilespmem:s9+$0xFFFFFF90]  }
0x135: {  	[tilespmem:s21+$0x50] =	vst v4;
	v4 =	vld [tilespmem:s21+$0x60]  }
0x136: {  	v2 =	vadd.f32 v3, v2;
	v3 =	vld [tilespmem:s9+$0x60]  }
0x137: {  	v6 =	vld [tilespmem:s21+$0xFFFFFFA0]  }
0x138: {  	[tilespmem:s21+$0xFFFFFFD0] =	vst v2;
	v2 =	vld [tilespmem:s21+$0xFFFFFFE0];
	v0 =	vadd.f32 v0, v1  }
0x139: {  	v1 =	vadd.f32 v5, v7;
	v5 =	vld [tilespmem:s9+$0xFFFFFFE0]  }
0x13a: {  	[tilespmem:s21+$0x10] =	vst v0;
	v7 =	vld [tilespmem:s21+$0x20]  }
0x13b: {  	[tilespmem:s21+$0xFFFFFF90] =	vst v1;
	v8 =	vld [tilespmem:s9+$0x20];
	v0 =	vadd.f32 v3, v4  }
0x13c: {  	v3 =	vld [tilespmem:s9+$0xFFFFFFA0]  }
0x13d: {  	[tilespmem:s21+$0x60] =	vst v0;
	v9 =	vld [tilespmem:s21+$0x70]  }
0x13e: {  	v1 =	vadd.f32 v5, v2;
	v5 =	vld [tilespmem:s9+$0x70]  }
0x13f: {  	v0 =	vld [tilespmem:s21+$0xFFFFFFB0]  }
.Ltmp2:
0x140: {  	[tilespmem:s21+$0xFFFFFFE0] =	vst v1;
	v1 =	vld [tilespmem:s21+$0xFFFFFFF0];
	v2 =	vadd.f32 v8, v7;
	(pc) =	sbr.rel @p0 .LBB2_7-.Ltmp2, $4  }
0x141: {  	v4 =	vadd.f32 v3, v6;
	v3 =	vld [tilespmem:s9+$0xFFFFFFF0]  }
0x142: {  	[tilespmem:s21+$0x20] =	vst v2;
	v2 =	vld [tilespmem:s21+$0x30]  }
0x143: {  	[tilespmem:s21+$0xFFFFFFA0] =	vst v4;
	v4 =	vld [tilespmem:s9+$0x30];
	v6 =	vadd.f32 v5, v9  }
0x144: {  	s21 =	sadd.s32 $0x100, s21;
	v5 =	vld [tilespmem:s9+$0xFFFFFFB0]  }
0x145: {  	_ =	sdelay $0x1  }
0x146: {  	v1 =	vadd.f32 v3, v1  }
0x147: {  	[tilespmem:s12+$0x70] =	vst v6;
	s9 =	sadd.s32 s4, s11;
	v2 =	vadd.f32 v4, v2  }
0x148: {  	s9 =	smul.u32 $0x640, s9;
	[tilespmem:s12+$0xFFFFFFF0] =	vst v1;
	v0 =	vadd.f32 v5, v0  }
0x149: {  	[tilespmem:s12+$0x30] =	vst v2  }
0x14a: {  	s9 =	sadd.s32 s2, s9;
	[tilespmem:s12+$0xFFFFFFB0] =	vst v0  }
0x14b: {  	[hbm4b:s9+s3] =	stream.linear.scatter [tilespmem:s17], [sflag:$0x6], $0x3200, $0x38;
	[tilespmem:$0x12C00] =	vst v63  }
0x14c: {  	_ =	swait.ge [sflag:s6], $0x3200  }
0x14d: {  	[sflag:s6] =	ssyncset.done $0x0  }
0x14e: {  	s21 =	sadd.s32 $0x320, s7;
	[sflag:s6] =	ssyncadd.s32 $0xFFFFCE00  }
0x14f: {  	[tilespmem:s24], [sflag:$0x2] =	stream.indirect.gather [hbm4b:s5+s14], $0x40, s21, s14, $0xb8;
	[tilespmem:$0x12C00] =	vst v63  }
0x150: {  	s11 =	sadd.s32 $0x348, s7;
	s10 =	sadd.s32 $0x1, s10  }
0x151: {  	[tilespmem:s26], [sflag:$0x2] =	stream.indirect.gather [hbm4b:s5+s14], $0x40, s11, s14, $0xb8;
	[tilespmem:$0x12C00] =	vst v63  }
0x152: {  	p0 =	sne.s32 s10, $0x2A;
	s12 =	sadd.s32 $0x370, s7  }
0x153: {  	[tilespmem:s29], [sflag:$0x2] =	stream.indirect.gather [hbm4b:s5+s14], $0x40, s12, s14, $0xb8;
	[tilespmem:$0x12C00] =	vst v63  }
.Ltmp3:
0x154: {  	_ = 	snop;
	(pc) =	sbr.rel @p0 .LBB2_2-.Ltmp3, $4  }
0x155: {  	s19 =	sadd.s32 $0x398, s7  }
0x156: {  	[tilespmem:s31], [sflag:$0x2] =	stream.indirect.gather [hbm4b:s5+s14], $0x40, s19, s14, $0xb8;
	[tilespmem:$0x12C00] =	vst v63  }
0x157: {  	s21 =	sadd.s32 $0x3C0, s7  }
0x158: {  	[tilespmem:s0], [sflag:$0x2] =	stream.indirect.gather [hbm4b:s5+s14], $0x40, s21, s14, $0xb8;
	[tilespmem:$0x12C00] =	vst v63  }
0x159: {  	_ =	swait.ge [sflag:s13], $0xA00  }
0x15a: {  	[sflag:s13] =	ssyncset.done $0x0  }
0x15b: {  	[sflag:s13] =	ssyncadd.s32 $0xFFFFF600  }
0x15c: {  	_ =	swait.ge [sflag:s13], $0xA00  }
0x15d: {  	[sflag:s13] =	ssyncset.done $0x0  }
0x15e: {  	[sflag:s13] =	ssyncadd.s32 $0xFFFFF600  }
0x15f: {  	_ =	swait.ge [sflag:s13], $0xA00  }
0x160: {  	[sflag:s13] =	ssyncset.done $0x0  }
0x161: {  	[sflag:s13] =	ssyncadd.s32 $0xFFFFF600  }
0x162: {  	_ =	swait.ge [sflag:s13], $0xA00  }
0x163: {  	[sflag:s13] =	ssyncset.done $0x0  }
0x164: {  	[sflag:s13] =	ssyncadd.s32 $0xFFFFF600  }
0x165: {  	_ =	swait.ge [sflag:s13], $0xA00  }
0x166: {  	[sflag:s13] =	ssyncset.done $0x0  }
0x167: {  	s7 =	simm.s32 $0x9680;
	[sflag:s13] =	ssyncadd.s32 $0xFFFFF600  }
0x168: {  	s9 =	simm.s32 $0x6480;
	v0 =	vld [tilespmem:s7+$0x40]  }
0x169: {  	v1 =	vld [tilespmem:s9+$0x40]  }
0x16a: {  	v2 =	vld [tilespmem:s7+$0xFFFFFFC0]  }
0x16b: {  	v3 =	vld [tilespmem:s9+$0xFFFFFFC0]  }
0x16c: {  	v4 =	vld [tilespmem:s7+$0x0]  }
0x16d: {  	v5 =	vld [tilespmem:s9+$0x0]  }
0x16e: {  	v6 =	vld [tilespmem:s7+$0xFFFFFF80];
	v0 =	vadd.f32 v1, v0  }
0x16f: {  	v1 =	vld [tilespmem:s9+$0xFFFFFF80]  }
0x170: {  	[tilespmem:s7+$0x40] =	vst v0;
	v0 =	vld [tilespmem:s7+$0x50]  }
0x171: {  	v2 =	vadd.f32 v3, v2;
	v3 =	vld [tilespmem:s9+$0x50]  }
0x172: {  	v7 =	vld [tilespmem:s7+$0xFFFFFF90]  }
0x173: {  	[tilespmem:s7+$0xFFFFFFC0] =	vst v2;
	v2 =	vadd.f32 v5, v4;
	v4 =	vld [tilespmem:s7+$0xFFFFFFD0]  }
0x174: {  	v5 =	vld [tilespmem:s9+$0xFFFFFFD0];
	v1 =	vadd.f32 v1, v6  }
0x175: {  	[tilespmem:s7+$0x0] =	vst v2;
	v2 =	vld [tilespmem:s7+$0x10]  }
0x176: {  	v6 =	vld [tilespmem:s9+$0x10];
	[tilespmem:s7+$0xFFFFFF80] =	vst v1;
	v0 =	vadd.f32 v3, v0  }
0x177: {  	v1 =	vld [tilespmem:s9+$0xFFFFFF90]  }
0x178: {  	[tilespmem:s7+$0x50] =	vst v0;
	v0 =	vld [tilespmem:s7+$0x60]  }
0x179: {  	v3 =	vadd.f32 v5, v4;
	v4 =	vld [tilespmem:s9+$0x60]  }
0x17a: {  	v5 =	vld [tilespmem:s7+$0xFFFFFFA0]  }
0x17b: {  	[tilespmem:s7+$0xFFFFFFD0] =	vst v3;
	v2 =	vadd.f32 v6, v2;
	v3 =	vld [tilespmem:s7+$0xFFFFFFE0]  }
0x17c: {  	v6 =	vld [tilespmem:s9+$0xFFFFFFE0];
	v1 =	vadd.f32 v1, v7  }
0x17d: {  	[tilespmem:s7+$0x10] =	vst v2;
	v2 =	vld [tilespmem:s7+$0x20]  }
0x17e: {  	v7 =	vld [tilespmem:s9+$0x20];
	[tilespmem:s7+$0xFFFFFF90] =	vst v1;
	v0 =	vadd.f32 v4, v0  }
0x17f: {  	v4 =	vld [tilespmem:s9+$0xFFFFFFA0]  }
0x180: {  	v8 =	vld [tilespmem:s7+$0x70];
	[tilespmem:s7+$0x60] =	vst v0  }
0x181: {  	v1 =	vadd.f32 v6, v3;
	v6 =	vld [tilespmem:s9+$0x70]  }
0x182: {  	v0 =	vld [tilespmem:s7+$0xFFFFFFB0]  }
0x183: {  	[tilespmem:s7+$0xFFFFFFE0] =	vst v1;
	v2 =	vadd.f32 v7, v2;
	v1 =	vld [tilespmem:s7+$0xFFFFFFF0]  }
0x184: {  	v3 =	vld [tilespmem:s9+$0xFFFFFFF0];
	v4 =	vadd.f32 v4, v5  }
0x185: {  	[tilespmem:s7+$0x20] =	vst v2;
	v2 =	vld [tilespmem:s7+$0x30]  }
0x186: {  	[tilespmem:s7+$0xFFFFFFA0] =	vst v4;
	v4 =	vld [tilespmem:s9+$0x30];
	v6 =	vadd.f32 v6, v8  }
0x187: {  	s10 =	simm.s32 $0x0;
	s11 =	simm.s32 $0x9780;
	v5 =	vld [tilespmem:s9+$0xFFFFFFB0]  }
.LBB2_10:
0x188: {  	v7 =	vld [tilespmem:s11+$0x40];
	[tilespmem:s7+$0x70] =	vst v6;
	s9 =	sadd.s32 $0x100, s9  }
0x189: {  	s10 =	sadd.s32 $0x4, s10;
	v6 =	vld [tilespmem:s9+$0x40];
	v1 =	vadd.f32 v3, v1  }
0x18a: {  	p0 =	slt.u32 s10, $0xC4;
	v3 =	vld [tilespmem:s9+$0xFFFFFF80]  }
0x18b: {  	v8 =	vld [tilespmem:s11+$0xFFFFFFC0];
	[tilespmem:s7+$0xFFFFFFF0] =	vst v1;
	v1 =	vadd.f32 v4, v2  }
0x18c: {  	v2 =	vld [tilespmem:s9+$0xFFFFFFC0];
	v0 =	vadd.f32 v5, v0  }
0x18d: {  	v4 =	vld [tilespmem:s11+$0x0];
	[tilespmem:s7+$0x30] =	vst v1  }
0x18e: {  	v1 =	vld [tilespmem:s9+$0x0];
	v5 =	vadd.f32 v6, v7;
	[tilespmem:s7+$0xFFFFFFB0] =	vst v0;
	s7 =	smov.u32 s11  }
0x18f: {  	v0 =	vld [tilespmem:s11+$0xFFFFFF80]  }
0x190: {  	[tilespmem:s11+$0x40] =	vst v5;
	v5 =	vld [tilespmem:s11+$0x50]  }
0x191: {  	v2 =	vadd.f32 v2, v8;
	v6 =	vld [tilespmem:s9+$0x50]  }
0x192: {  	v7 =	vld [tilespmem:s11+$0xFFFFFF90]  }
0x193: {  	[tilespmem:s11+$0xFFFFFFC0] =	vst v2;
	v2 =	vld [tilespmem:s11+$0xFFFFFFD0];
	v1 =	vadd.f32 v1, v4  }
0x194: {  	v0 =	vadd.f32 v3, v0;
	v3 =	vld [tilespmem:s9+$0xFFFFFFD0]  }
0x195: {  	[tilespmem:s11+$0x0] =	vst v1;
	v1 =	vld [tilespmem:s11+$0x10]  }
0x196: {  	[tilespmem:s11+$0xFFFFFF80] =	vst v0;
	v0 =	vld [tilespmem:s9+$0x10];
	v4 =	vadd.f32 v6, v5  }
0x197: {  	v5 =	vld [tilespmem:s9+$0xFFFFFF90]  }
0x198: {  	[tilespmem:s11+$0x50] =	vst v4;
	v4 =	vld [tilespmem:s11+$0x60]  }
0x199: {  	v2 =	vadd.f32 v3, v2;
	v3 =	vld [tilespmem:s9+$0x60]  }
0x19a: {  	v6 =	vld [tilespmem:s11+$0xFFFFFFA0]  }
0x19b: {  	[tilespmem:s11+$0xFFFFFFD0] =	vst v2;
	v2 =	vld [tilespmem:s11+$0xFFFFFFE0];
	v0 =	vadd.f32 v0, v1  }
0x19c: {  	v1 =	vadd.f32 v5, v7;
	v5 =	vld [tilespmem:s9+$0xFFFFFFE0]  }
0x19d: {  	[tilespmem:s11+$0x10] =	vst v0;
	v7 =	vld [tilespmem:s11+$0x20]  }
0x19e: {  	[tilespmem:s11+$0xFFFFFF90] =	vst v1;
	v8 =	vld [tilespmem:s9+$0x20];
	v0 =	vadd.f32 v3, v4  }
0x19f: {  	v3 =	vld [tilespmem:s9+$0xFFFFFFA0]  }
0x1a0: {  	[tilespmem:s11+$0x60] =	vst v0;
	v9 =	vld [tilespmem:s11+$0x70]  }
0x1a1: {  	v1 =	vadd.f32 v5, v2;
	v5 =	vld [tilespmem:s9+$0x70]  }
0x1a2: {  	v0 =	vld [tilespmem:s11+$0xFFFFFFB0]  }
.Ltmp4:
0x1a3: {  	[tilespmem:s11+$0xFFFFFFE0] =	vst v1;
	v1 =	vld [tilespmem:s11+$0xFFFFFFF0];
	v2 =	vadd.f32 v8, v7;
	(pc) =	sbr.rel @p0 .LBB2_10-.Ltmp4, $4  }
0x1a4: {  	v4 =	vadd.f32 v3, v6;
	v3 =	vld [tilespmem:s9+$0xFFFFFFF0]  }
0x1a5: {  	[tilespmem:s11+$0x20] =	vst v2;
	v2 =	vld [tilespmem:s11+$0x30]  }
0x1a6: {  	[tilespmem:s11+$0xFFFFFFA0] =	vst v4;
	v4 =	vld [tilespmem:s9+$0x30];
	v6 =	vadd.f32 v5, v9  }
0x1a7: {  	s11 =	sadd.s32 $0x100, s11;
	v5 =	vld [tilespmem:s9+$0xFFFFFFB0]  }
0x1a8: {  	_ =	sdelay $0x1  }
0x1a9: {  	v1 =	vadd.f32 v3, v1  }
0x1aa: {  	[tilespmem:s7+$0x70] =	vst v6;
	v2 =	vadd.f32 v4, v2  }
0x1ab: {  	[tilespmem:s7+$0xFFFFFFF0] =	vst v1;
	v0 =	vadd.f32 v5, v0  }
0x1ac: {  	[tilespmem:s7+$0x30] =	vst v2  }
0x1ad: {  	[tilespmem:s7+$0xFFFFFFB0] =	vst v0  }
0x1ae: {  	s7 =	rddreg [dreg:$0x5]  }
0x1af: {  	[hbm4b:s7+s3] =	stream.linear.scatter [tilespmem:s15], [sflag:$0x4], $0x3200, $0x38;
	[tilespmem:$0x12C00] =	vst v63  }
0x1b0: {  	_ =	swait.ge [sflag:s28], $0xA00  }
0x1b1: {  	[sflag:s28] =	ssyncset.done $0x0  }
0x1b2: {  	[sflag:s28] =	ssyncadd.s32 $0xFFFFF600  }
0x1b3: {  	_ =	swait.ge [sflag:s28], $0xA00  }
0x1b4: {  	[sflag:s28] =	ssyncset.done $0x0  }
0x1b5: {  	[sflag:s28] =	ssyncadd.s32 $0xFFFFF600  }
0x1b6: {  	_ =	swait.ge [sflag:s28], $0xA00  }
0x1b7: {  	[sflag:s28] =	ssyncset.done $0x0  }
0x1b8: {  	[sflag:s28] =	ssyncadd.s32 $0xFFFFF600  }
0x1b9: {  	_ =	swait.ge [sflag:s28], $0xA00  }
0x1ba: {  	[sflag:s28] =	ssyncset.done $0x0  }
0x1bb: {  	[sflag:s28] =	ssyncadd.s32 $0xFFFFF600  }
0x1bc: {  	_ =	swait.ge [sflag:s28], $0xA00  }
0x1bd: {  	[sflag:s28] =	ssyncset.done $0x0  }
0x1be: {  	s7 =	simm.s32 $0xC880;
	[sflag:s28] =	ssyncadd.s32 $0xFFFFF600  }
0x1bf: {  	s9 =	simm.s32 $0x6480;
	v0 =	vld [tilespmem:s7+$0x40]  }
0x1c0: {  	v1 =	vld [tilespmem:s9+$0x40]  }
0x1c1: {  	v2 =	vld [tilespmem:s7+$0xFFFFFFC0]  }
0x1c2: {  	v3 =	vld [tilespmem:s9+$0xFFFFFFC0]  }
0x1c3: {  	v4 =	vld [tilespmem:s7+$0x0]  }
0x1c4: {  	v5 =	vld [tilespmem:s9+$0x0]  }
0x1c5: {  	v6 =	vld [tilespmem:s7+$0xFFFFFF80];
	v0 =	vadd.f32 v1, v0  }
0x1c6: {  	v1 =	vld [tilespmem:s9+$0xFFFFFF80]  }
0x1c7: {  	[tilespmem:s7+$0x40] =	vst v0;
	v0 =	vld [tilespmem:s7+$0x50]  }
0x1c8: {  	v2 =	vadd.f32 v3, v2;
	v3 =	vld [tilespmem:s9+$0x50]  }
0x1c9: {  	v7 =	vld [tilespmem:s7+$0xFFFFFF90]  }
0x1ca: {  	[tilespmem:s7+$0xFFFFFFC0] =	vst v2;
	v2 =	vadd.f32 v5, v4;
	v4 =	vld [tilespmem:s7+$0xFFFFFFD0]  }
0x1cb: {  	v5 =	vld [tilespmem:s9+$0xFFFFFFD0];
	v1 =	vadd.f32 v1, v6  }
0x1cc: {  	[tilespmem:s7+$0x0] =	vst v2;
	v2 =	vld [tilespmem:s7+$0x10]  }
0x1cd: {  	v6 =	vld [tilespmem:s9+$0x10];
	[tilespmem:s7+$0xFFFFFF80] =	vst v1;
	v0 =	vadd.f32 v3, v0  }
0x1ce: {  	v1 =	vld [tilespmem:s9+$0xFFFFFF90]  }
0x1cf: {  	[tilespmem:s7+$0x50] =	vst v0;
	v0 =	vld [tilespmem:s7+$0x60]  }
0x1d0: {  	v3 =	vadd.f32 v5, v4;
	v4 =	vld [tilespmem:s9+$0x60]  }
0x1d1: {  	v5 =	vld [tilespmem:s7+$0xFFFFFFA0]  }
0x1d2: {  	[tilespmem:s7+$0xFFFFFFD0] =	vst v3;
	v2 =	vadd.f32 v6, v2;
	v3 =	vld [tilespmem:s7+$0xFFFFFFE0]  }
0x1d3: {  	v6 =	vld [tilespmem:s9+$0xFFFFFFE0];
	v1 =	vadd.f32 v1, v7  }
0x1d4: {  	[tilespmem:s7+$0x10] =	vst v2;
	v2 =	vld [tilespmem:s7+$0x20]  }
0x1d5: {  	v7 =	vld [tilespmem:s9+$0x20];
	[tilespmem:s7+$0xFFFFFF90] =	vst v1;
	v0 =	vadd.f32 v4, v0  }
0x1d6: {  	v4 =	vld [tilespmem:s9+$0xFFFFFFA0]  }
0x1d7: {  	v8 =	vld [tilespmem:s7+$0x70];
	[tilespmem:s7+$0x60] =	vst v0  }
0x1d8: {  	v1 =	vadd.f32 v6, v3;
	v6 =	vld [tilespmem:s9+$0x70]  }
0x1d9: {  	v0 =	vld [tilespmem:s7+$0xFFFFFFB0]  }
0x1da: {  	[tilespmem:s7+$0xFFFFFFE0] =	vst v1;
	v2 =	vadd.f32 v7, v2;
	v1 =	vld [tilespmem:s7+$0xFFFFFFF0]  }
0x1db: {  	v3 =	vld [tilespmem:s9+$0xFFFFFFF0];
	v4 =	vadd.f32 v4, v5  }
0x1dc: {  	[tilespmem:s7+$0x20] =	vst v2;
	v2 =	vld [tilespmem:s7+$0x30]  }
0x1dd: {  	[tilespmem:s7+$0xFFFFFFA0] =	vst v4;
	v4 =	vld [tilespmem:s9+$0x30];
	v6 =	vadd.f32 v6, v8  }
0x1de: {  	s10 =	simm.s32 $0x0;
	s11 =	simm.s32 $0xC980;
	v5 =	vld [tilespmem:s9+$0xFFFFFFB0]  }
.LBB2_12:
0x1df: {  	v7 =	vld [tilespmem:s11+$0x40];
	[tilespmem:s7+$0x70] =	vst v6;
	s9 =	sadd.s32 $0x100, s9  }
0x1e0: {  	s10 =	sadd.s32 $0x4, s10;
	v6 =	vld [tilespmem:s9+$0x40];
	v1 =	vadd.f32 v3, v1  }
0x1e1: {  	p0 =	slt.u32 s10, $0xC4;
	v3 =	vld [tilespmem:s9+$0xFFFFFF80]  }
0x1e2: {  	v8 =	vld [tilespmem:s11+$0xFFFFFFC0];
	[tilespmem:s7+$0xFFFFFFF0] =	vst v1;
	v1 =	vadd.f32 v4, v2  }
0x1e3: {  	v2 =	vld [tilespmem:s9+$0xFFFFFFC0];
	v0 =	vadd.f32 v5, v0  }
0x1e4: {  	v4 =	vld [tilespmem:s11+$0x0];
	[tilespmem:s7+$0x30] =	vst v1  }
0x1e5: {  	v1 =	vld [tilespmem:s9+$0x0];
	v5 =	vadd.f32 v6, v7;
	[tilespmem:s7+$0xFFFFFFB0] =	vst v0;
	s7 =	smov.u32 s11  }
0x1e6: {  	v0 =	vld [tilespmem:s11+$0xFFFFFF80]  }
0x1e7: {  	[tilespmem:s11+$0x40] =	vst v5;
	v5 =	vld [tilespmem:s11+$0x50]  }
0x1e8: {  	v2 =	vadd.f32 v2, v8;
	v6 =	vld [tilespmem:s9+$0x50]  }
0x1e9: {  	v7 =	vld [tilespmem:s11+$0xFFFFFF90]  }
0x1ea: {  	[tilespmem:s11+$0xFFFFFFC0] =	vst v2;
	v2 =	vld [tilespmem:s11+$0xFFFFFFD0];
	v1 =	vadd.f32 v1, v4  }
0x1eb: {  	v0 =	vadd.f32 v3, v0;
	v3 =	vld [tilespmem:s9+$0xFFFFFFD0]  }
0x1ec: {  	[tilespmem:s11+$0x0] =	vst v1;
	v1 =	vld [tilespmem:s11+$0x10]  }
0x1ed: {  	[tilespmem:s11+$0xFFFFFF80] =	vst v0;
	v0 =	vld [tilespmem:s9+$0x10];
	v4 =	vadd.f32 v6, v5  }
0x1ee: {  	v5 =	vld [tilespmem:s9+$0xFFFFFF90]  }
0x1ef: {  	[tilespmem:s11+$0x50] =	vst v4;
	v4 =	vld [tilespmem:s11+$0x60]  }
0x1f0: {  	v2 =	vadd.f32 v3, v2;
	v3 =	vld [tilespmem:s9+$0x60]  }
0x1f1: {  	v6 =	vld [tilespmem:s11+$0xFFFFFFA0]  }
0x1f2: {  	[tilespmem:s11+$0xFFFFFFD0] =	vst v2;
	v2 =	vld [tilespmem:s11+$0xFFFFFFE0];
	v0 =	vadd.f32 v0, v1  }
0x1f3: {  	v1 =	vadd.f32 v5, v7;
	v5 =	vld [tilespmem:s9+$0xFFFFFFE0]  }
0x1f4: {  	[tilespmem:s11+$0x10] =	vst v0;
	v7 =	vld [tilespmem:s11+$0x20]  }
0x1f5: {  	[tilespmem:s11+$0xFFFFFF90] =	vst v1;
	v8 =	vld [tilespmem:s9+$0x20];
	v0 =	vadd.f32 v3, v4  }
0x1f6: {  	v3 =	vld [tilespmem:s9+$0xFFFFFFA0]  }
0x1f7: {  	[tilespmem:s11+$0x60] =	vst v0;
	v9 =	vld [tilespmem:s11+$0x70]  }
0x1f8: {  	v1 =	vadd.f32 v5, v2;
	v5 =	vld [tilespmem:s9+$0x70]  }
0x1f9: {  	v0 =	vld [tilespmem:s11+$0xFFFFFFB0]  }
.Ltmp5:
0x1fa: {  	[tilespmem:s11+$0xFFFFFFE0] =	vst v1;
	v1 =	vld [tilespmem:s11+$0xFFFFFFF0];
	v2 =	vadd.f32 v8, v7;
	(pc) =	sbr.rel @p0 .LBB2_12-.Ltmp5, $4  }
0x1fb: {  	v4 =	vadd.f32 v3, v6;
	v3 =	vld [tilespmem:s9+$0xFFFFFFF0]  }
0x1fc: {  	[tilespmem:s11+$0x20] =	vst v2;
	v2 =	vld [tilespmem:s11+$0x30]  }
0x1fd: {  	[tilespmem:s11+$0xFFFFFFA0] =	vst v4;
	v4 =	vld [tilespmem:s9+$0x30];
	v6 =	vadd.f32 v5, v9  }
0x1fe: {  	s11 =	sadd.s32 $0x100, s11;
	v5 =	vld [tilespmem:s9+$0xFFFFFFB0]  }
0x1ff: {  	_ =	sdelay $0x1  }
0x200: {  	v1 =	vadd.f32 v3, v1  }
0x201: {  	[tilespmem:s7+$0x70] =	vst v6;
	v2 =	vadd.f32 v4, v2  }
0x202: {  	[tilespmem:s7+$0xFFFFFFF0] =	vst v1;
	v0 =	vadd.f32 v5, v0  }
0x203: {  	[tilespmem:s7+$0x30] =	vst v2  }
0x204: {  	[tilespmem:s7+$0xFFFFFFB0] =	vst v0  }
0x205: {  	s7 =	rddreg [dreg:$0x6]  }
0x206: {  	[hbm4b:s7+s3] =	stream.linear.scatter [tilespmem:s24], [sflag:$0x5], $0x3200, $0x38;
	[tilespmem:$0x12C00] =	vst v63  }
0x207: {  	_ =	swait.ge [sflag:s30], $0x3200  }
0x208: {  	[sflag:s30] =	ssyncset.done $0x0  }
0x209: {  	[sflag:s30] =	ssyncadd.s32 $0xFFFFCE00  }
0x20a: {  	_ =	swait.ge [sflag:s6], $0x3200  }
0x20b: {  	[sflag:s6] =	ssyncset.done $0x0  }
0x20c: {  	s9 =	simm.s32 $0x6;
	[sflag:s6] =	ssyncadd.s32 $0xFFFFCE00  }
0x20d: {  	_ =	swait.ge [sflag:s9], $0x3200  }
0x20e: {  	s10 =	rddreg [dreg:$0x8]  }
0x20f: {  	s21 =	rddreg [dreg:$0x7];
	s10 =	sadd.s32 $0x1, s10  }
0x210: {  	p0 =	sne.s32 s10, s21  }
.Ltmp6:
0x211: {  	_ = 	snop;
	(pc) =	sbr.rel @p0 .LBB2_1-.Ltmp6, $3  }
0x212: {  	_ =	sdelay $0x1  }
0x213: {  	[sflag:s9] =	ssyncset.done $0x0  }
0x214: {  	[sflag:s9] =	ssyncadd.s32 $0xFFFFCE00  }
0x215: {  	_ =	sfence.sel $0x180000  }
0x216: {  	[bflag:$0x0] =	sbarrier.arrive $0xFFFF  }
0x217: {  	_ =	strace $0x90000047  }
0x218: {  	s0 =	stileid.u32;
	[bflag:$0x2] =	sbarrier.arrive $0xFFFF  }
0x219: {  	p0 =	sne.s32 s0, $0x0;
	s0 =	rddreg [dreg:$0x2]  }
0x21a: {  	s0 =	sadd.s32 @!p0 $0x100000, s0  }
0x21b: {  	[sflag:s0] =	ssyncadd.tile.s32 @!p0 $0x1;
	_ =	shalt  }
.Lfunc_end2:
_tile_overlayer_lowered:
.L_overlay_start_2:
0x21c: {  	(tag) =	ssettag $0x2  }
0x21d: {  	s0 =	rddreg [dreg:$0x0];
	s2 =	stileid.u32  }
0x21e: {  	s1 =	rddreg [dreg:$0x1];
	p0 =	sne.s32 s2, $0x0  }
0x21f: {  	s3 =	rddreg [dreg:$0x2];
	[bflag:$0x3] =	sbarrier.arrive $0xFFFF;
	s2 =	simm.s32 @!p0 $0x1C07  }
0x220: {  	[timem:s3], [sflag:s2] =	dma.local @!p0 [hbm:s0], s1  }
0x221: {  	s0 =	simm.s32 @!p0 $0x7  }
0x222: {  	_ =	swait.ge @!p0 [sflag:s0], s1  }
0x223: {  	s1 =	ssub.s32 @!p0 $0x0, s1;
	[sflag:s0] =	ssyncset.done @!p0 $0x0  }
0x224: {  	[sflag:s0] =	ssyncadd.s32 @!p0 s1  }
0x225: {  	[bflag:$0x3] =	sbarrier.arrive $0xFFFF  }
0x226: {  	_ =	shalt  }

// kernel: sparse-core-data-format-call.cloned.1.call-start
scs
called_computation_lowered:
.L_overlay_start_0:
0x0: {  	s2 =	sld [smem:$0x3FD9]  }
0x1: {  	s3 =	sld [smem:$0x3FFE];
	_ =	sdelay $0x1  }
0x2: {  	s1 =	srdreg.scid  }
0x3: {  	s0 =	sand.u32 $0x1, s1  }
0x4: {  	s18 =	sshll.u32 s0, $0xA;
	s2 =	sadd.s32 s3, s2  }
0x5: {  	s2 =	sadd.s32 s2, s18  }
0x6: {  	[smem:$0x3FC5] =	sst s2  }
0x7: {  	_ = 	snop  }
0x8: {  	s2 =	sld [smem:$0x3FD0];
	(tm) =	ssettm $0x1  }
0x9: {  	s19 =	sld [smem:$0x3FFB];
	_ =	sdelay $0x3  }
0xa: {  	_ =	strace s19  }
0xb: {  	s3 =	sld [smem:$0x3FFC];
	_ =	sdelay $0x3  }
0xc: {  	_ =	strace s3  }
0xd: {  	s3 =	sld [smem:$0x3FFD];
	_ =	sdelay $0x3  }
0xe: {  	_ =	strace s3  }
0xf: {  	_ =	strace $0x8FFFFFFF  }
0x10: {  	s20 =	sld [smem:$0x3FDB];
	_ =	sdelay $0x1  }
0x11: {  	s4 =	simm.s32 $_scs_section_size  }
0x12: {  	s5 =	simm.s32 $_size__tile_overlayer_lowered;
	s6 =	simm.s32 $_tile_overlayer_lowered  }
0x13: {  	s23 =	simm.s32 $0x1BFF;
	s22 =	sshll.u32 s6, $0x1;
	s3 =	sadd.s32 s4, s20  }
0x14: {  	s7 =	simm.s32 $0x0;
	s21 =	sshll.u32 s5, $0x1;
	s5 =	sadd.s32 s22, s3  }
0x15: {  	[timem:s7], [sflag:s23] =	dma.local [hbm:s5], s21  }
0x16: {  	_ =	swait.ge [sflag:s23], s21  }
0x17: {  	s4 =	ssub.s32 $0x0, s21;
	[sflag:s23] =	ssyncset.done $0x0  }
0x18: {  	[sflag:s23] =	ssyncadd.s32 s4;
	_ =	sdelay $0x1  }
0x19: {  	s24 =	simm.s32 $0x1B8B  }
0x1a: {  	_ =	swait.ge [sflag:s24], $0x1  }
0x1b: {  	[sflag:s24] =	ssyncset.done $0x0  }
0x1c: {  	s26 =	simm.s32 $0x1B8E;
	s25 =	sld [smem:$0x3FFE];
	[sflag:s24] =	ssyncadd.s32 $0xFFFFFFFF  }
0x1d: {  	s27 =	simm.s32 $execute0_lowered;
	[smem:$0x3FD2] =	sst s26  }
0x1e: {  	s5 =	sshll.u32 s27, $0x1;
	_ =	strace $0x80000049;
	[dreg:$0x1] =	wrdreg $0xFFFFFFFF  }
0x1f: {  	s28 =	simm.s32 $_size_execute0_lowered;
	s3 =	sadd.s32 s3, s5;
	[dreg:$0x0] =	wrdreg $0x0  }
0x20: {  	s5 =	sshll.u32 s28, $0x1;
	[dreg:$0x2] =	wrdreg s3  }
0x21: {  	[dreg:$0x3] =	wrdreg s5  }
0x22: {  	[dreg:$0x4] =	wrdreg $0xC0  }
0x23: {  	_ =	task [dreg:s7], $0x5FFFF  }
0x24: {  	[dreg:$0x1] =	wrdreg $0xFFFFFFFF  }
0x25: {  	[dreg:$0x0] =	wrdreg $0x60  }
0x26: {  	[dreg:$0x2] =	wrdreg s25  }
0x27: {  	[dreg:$0x3] =	wrdreg s2  }
0x28: {  	[dreg:$0x4] =	wrdreg $0x9  }
0x29: {  	_ =	task.clear_ibuf [dreg:s7], $0x5FFFF;
	_ =	strace $0x90000049  }
0x2a: {  	s29 =	simm.s32 $0x9;
	_ =	strace $0x8000004B  }
0x2b: {  	_ =	swait.ge [sflag:s29], $0x1  }
0x2c: {  	[sflag:s29] =	ssyncadd.s32 $0xFFFFFFFF  }
0x2d: {  	_ =	strace $0x9000004B  }
0x2e: {  	_ =	sfence  }
0x2f: {  	s30 =	sld [smem:$0x0];
	_ =	sdelay $0x2  }
0x30: {  	s31 =	sshll.u32 s1, $0xD;
	s1 =	sshrl.u32 s1, $0x2  }
0x31: {  	s3 =	sand.u32 $0x4000, s31;
	s1 =	sadd.s32 s1, s30  }
0x32: {  	s0 =	sor.u32 s3, s0;
	s1 =	sshll.u32 s1, $0x11  }
0x33: {  	s0 =	sor.u32 s1, s0  }
0x34: {  	s0 =	sadd.s32 $0x8F2B, s0  }
0x35: {  	[sflag:s0] =	ssyncadd.remote.s32 $0x1  }
0x36: {  	_ =	sfence.sel $0xFFFF  }
0x37: {  	[dreg:$0x0] =	wrdreg $0xFFFFFFFF;
	(pc) =	sbr.abs _section_cstart, $3  }
0x38: {  	[dreg:$0x1] =	wrdreg $0xFFFFFFFF  }
0x39: {  	_ =	task.clear_ibuf [dreg:s7], $0x2FFFF;
	_ =	strace $0x9FFFFFFF  }
0x3a: {  	(tm) =	ssettm $0x7FFFFFFF  }
0x3b: {  	_ =	shalt  }
tec
execute0_lowered:
.L_overlay_start_1:
0x0: {  	(tag) =	ssettag $0x1  }
0x1: {  	s0 =	srdreg.scid  }
0x2: {  	s1 =	sshll.u32 s0, $0x4  }
0x3: {  	s0 =	stileid.u32;
	s1 =	sand.u32 $0x10, s1  }
0x4: {  	s1 =	sor.u32 s0, s1  }
0x5: {  	s6 =	rddreg [dreg:$0x0];
	s4 =	simm.s32 $0x1;
	s2 =	sshll.u32 s1, $0x7  }
0x6: {  	s7 =	simm.s32 $0x2;
	s12 =	simm.s32 $0x0;
	s1 =	ssub.s32 $0x1000, s2  }
0x7: {  	s8 =	simm.s32 $0x8000;
	s13 =	simm.s32 $0x0;
	s3 =	sand.u32 $0xF80, s1  }
0x8: {  	s9 =	simm.s32 $0x0;
	s5 =	sshrl.u32 s1, $0xC;
	p0 =	sne.s32 s3, $0x0  }
.Ltmp0:
0x9: {  	s1 =	rddreg [dreg:$0x2];
	s4 =	simm.s32 @!p0 $0x0;
	(pc) =	sbr.rel .LBB1_1-.Ltmp0, $4  }
0xa: {  	s11 =	simm.s32 $0x0;
	s3 =	rddreg [dreg:$0x1];
	s5 =	sadd.s32 s4, s5  }
0xb: {  	_ =	strace $0x8000004A;
	s4 =	simm.s32 $0x1;
	s5 =	smul.u32 $0xC8, s5  }
0xc: {  	s6 =	sadd.s32 $0xC00, s6;
	s10 =	smov.u32 s2;
	[sflag:s4] =	ssyncpa.u1 $0x0  }
0xd: {  	p0 =	por $0x0, $0x0;
	[sflag:s7] =	ssyncpa.u1 $0x0;
	s7 =	sor.u32 $0x1, s5  }
.LBB1_4:
0xe: {  	s16 =	sshll.u32 s13, $0x3;
	s17 =	sand.u32 $0x78, s13  }
0xf: {  	s30 =	sand.u32 $0x7E00, s13;
	s12 =	sshll.u32 s12, $0xF;
	s16 =	sand.u32 $0xC00, s16  }
0x10: {  	[tilespmem:s15+$0x810 ss:$0x81] =	vst.msk $0xffff, v2;
	s31 =	sand.u32 $0x7, s13;
	s16 =	sor.u32 s17, s16;
	s17 =	sadd.s32 s3, s30  }
0x11: {  	[tilespmem:s15+$0x1020 ss:$0x81] =	vst.msk $0xffff, v0;
	s13 =	sshll.u32 s31, $0x12;
	s12 =	sadd.s32 s12, s17;
	s16 =	sshrl.u32 s16, $0x3  }
0x12: {  	[tilespmem:s15+$0x0 ss:$0x81] =	vst.msk $0xffff, v1;
	s13 =	sor.u32 $0x400, s13;
	s12 =	sadd.s32 s16, s12  }
0x13: {  	[hbm4b:s12+s13] =	stream.strided.scatter [tilespmem:s14], [sflag:$0x2], $0x2000, s8, s13, $0x20;
	[tilespmem:$0x8080] =	vst v63  }
.LBB1_5:
0x14: {  	s14 =	sadd.s32 $0x1, s9  }
0x15: {  	s12 =	sadd.s32 $0x1000, s10;
	s16 =	smov.u32 s10;
	p2 =	sgt.s32 s14, $0xC7  }
0x16: {  	s16 =	smov.u32 @p2 s12  }
0x17: {  	s14 =	simm.s32 @p2 $0x0;
	p2 =	sgt.s32 s16, $0xFFF  }
0x18: {  	s16 =	smov.u32 @p2 s2;
	p2 =	sne.s32 s11, s7  }
.Ltmp1:
0x19: {  	p1 =	slt.u32 s11, $0x2;
	(pc) =	sbr.rel @!p2 .LBB1_6-.Ltmp1, $4  }
0x1a: {  	s15 =	simm.s32 @!p1 $0x2  }
0x1b: {  	s13 =	smov.u32 s10;
	p0 =	por !p0, !p0;
	_ =	swait.ge @!p1 [sflag:s15], $0x2000  }
0x1c: {  	s12 =	smov.u32 s9;
	[sflag:s15] =	ssyncset.done @!p1 $0x0;
	s9 =	smov.u32 s14  }
0x1d: {  	s11 =	sadd.s32 $0x1, s11;
	[sflag:s15] =	ssyncadd.s32 @!p1 $0xFFFFE000;
	s10 =	smov.u32 s16  }
.LBB1_1:
0x1e: {  	p1 =	sge.u32 s11, s5  }
0x1f: {  	s14 =	sand.u32 @!p1 $0x1FFFFFF, s9  }
0x20: {  	s15 =	smulhi.u32 @!p1 $0x147AE15, s14;
	_ =	sdelay $0x1  }
0x21: {  	s15 =	smul.u32 @!p1 $0xC8, s15  }
0x22: {  	s16 =	sxor.u32 @!p1 $0xFFFFFFFF, s11;
	s17 =	smul.u32 @!p1 $0xC80, s10  }
0x23: {  	s31 =	sadd.s32 $0xFFFFFFFF, s11;
	s16 =	sshll.u32 @!p1 s16, $0xD;
	s14 =	ssub.s32 @!p1 s14, s15  }
0x24: {  	s15 =	sand.u32 @!p1 $0x2000, s16;
	s16 =	sadd.s32 @!p1 s6, s17;
	s14 =	sshll.u32 @!p1 s14, $0x4  }
0x25: {  	s17 =	simm.s32 @!p1 $0x6400;
	s14 =	sadd.s32 @!p1 s14, s16;
	s16 =	simm.s32 @!p1 $0x40  }
0x26: {  	[tilespmem:s15], [sflag:$0x1] =	stream.strided.gather @!p1 [hbm4b:s14+s16], $0x2000, s17, s16, $0x38;
	[tilespmem:$0x8080] =	vst v63  }
0x27: {  	p1 =	sge.u32 s31, s5  }
.Ltmp2:
0x28: {  	_ = 	snop;
	(pc) =	sbr.rel @p1 .LBB1_5-.Ltmp2, $1  }
0x29: {  	_ =	sdelay $0x3  }
0x2a: {  	s14 =	simm.s32 $0x1  }
0x2b: {  	_ =	swait.ge [sflag:s4], $0x2000;
	s14 =	simm.s32 @!p0 $0x0  }
0x2c: {  	[sflag:s4] =	ssyncset.done $0x0;
	s15 =	sshll.u32 s14, $0xD  }
0x2d: {  	[sflag:s4] =	ssyncadd.s32 $0xFFFFE000;
	s18 =	sor.u32 $0x20, s15  }
0x2e: {  	s14 =	smul.u32 $0x8100, s14;
	v3 =	vld [tilespmem:s18+$0x10]  }
0x2f: {  	s30 =	sand.u32 $0x1, s11;
	v2 =	vld [tilespmem:s18+$0xFFFFFFF0]  }
0x30: {  	s15 =	smul.u32 $0x8100, s30;
	s14 =	sshrl.u32 s14, $0x2;
	v0 =	vld [tilespmem:s18+$0x0]  }
0x31: {  	v1 =	vld [tilespmem:s18+$0xFFFFFFE0];
	s16 =	sor.u32 $0x4000, s14  }
0x32: {  	s31 =	sshrl.u32 s15, $0x2;
	s15 =	sadd.s32 $0x0, s16  }
0x33: {  	s17 =	simm.s32 $0x4;
	s18 =	sadd.s32 $0x40, s18;
	s14 =	sor.u32 $0x4000, s31;
	[tilespmem:s15+$0x1830 ss:$0x81] =	vst.msk $0xffff, v3  }
.LBB1_3:
0x34: {  	v3 =	vld [tilespmem:s18+$0x10];
	p1 =	sne.s32 s17, $0x1FC;
	[tilespmem:s15+$0x810 ss:$0x81] =	vst.msk $0xffff, v2;
	s19 =	smov.u32 s17;
	s17 =	sadd.s32 $0x4, s17  }
.Ltmp3:
0x35: {  	v2 =	vld [tilespmem:s18+$0xFFFFFFF0];
	[tilespmem:s15+$0x1020 ss:$0x81] =	vst.msk $0xffff, v0;
	(pc) =	sbr.rel @p1 .LBB1_3-.Ltmp3, $4  }
0x36: {  	v0 =	vld [tilespmem:s18+$0x0];
	[tilespmem:s15+$0x0 ss:$0x81] =	vst.msk $0xffff, v1  }
0x37: {  	s15 =	sshra.s32 s19, $0x2;
	v1 =	vld [tilespmem:s18+$0xFFFFFFE0]  }
0x38: {  	s15 =	sadd.s32 s15, s16  }
0x39: {  	s18 =	sadd.s32 $0x40, s18;
	[tilespmem:s15+$0x1830 ss:$0x81] =	vst.msk $0xffff, v3  }
.Ltmp4:
0x3a: {  	_ = 	snop;
	(pc) =	sbr.rel .LBB1_4-.Ltmp4, $1  }
0x3b: {  	_ =	sdelay $0x3  }
.LBB1_6:
0x3c: {  	_ =	sfence.sel $0x180000  }
0x3d: {  	s2 =	simm.s32 $0x1;
	[bflag:$0x0] =	sbarrier.arrive $0xFFFF  }
0x3e: {  	s31 =	simm.s32 $0x2;
	[sflag:s2] =	ssyncpa.u1 $0x1  }
0x3f: {  	[sflag:s31] =	ssyncpa.u1 $0x1  }
0x40: {  	p0 =	sne.s32 s0, $0x0;
	_ =	strace $0x9000004A  }
0x41: {  	s0 =	sadd.s32 @!p0 $0x100000, s1;
	[bflag:$0x2] =	sbarrier.arrive $0xFFFF  }
0x42: {  	[sflag:s0] =	ssyncadd.tile.s32 @!p0 $0x1;
	_ =	shalt  }
.Lfunc_end1:
_tile_overlayer_lowered:
.L_overlay_start_2:
0x43: {  	(tag) =	ssettag $0x2  }
0x44: {  	s0 =	rddreg [dreg:$0x0];
	s2 =	stileid.u32  }
0x45: {  	s1 =	rddreg [dreg:$0x1];
	p0 =	sne.s32 s2, $0x0  }
0x46: {  	s3 =	rddreg [dreg:$0x2];
	[bflag:$0x3] =	sbarrier.arrive $0xFFFF;
	s2 =	simm.s32 @!p0 $0x1C01  }
0x47: {  	[timem:s3], [sflag:s2] =	dma.local @!p0 [hbm:s0], s1  }
0x48: {  	s0 =	simm.s32 @!p0 $0x1  }
0x49: {  	_ =	swait.ge @!p0 [sflag:s0], s1  }
0x4a: {  	s1 =	ssub.s32 @!p0 $0x0, s1;
	[sflag:s0] =	ssyncset.done @!p0 $0x0  }
0x4b: {  	[sflag:s0] =	ssyncadd.s32 @!p0 s1  }
0x4c: {  	[bflag:$0x3] =	sbarrier.arrive $0xFFFF  }
0x4d: {  	_ =	shalt  }

</sc_bundles>
